<compile_context>
chip_gen: v7x
topology: tpu7x:2x2x1
jax: 0.10.2.dev20260603
libtpu: 0.0.44.dev20260713+nightly
codegen_flags: <defaults>
</compile_context>

<pallas_src>
import functools

import jax
import jax.numpy as jnp
from jax import lax
from jax.experimental import pallas as pl
from jax.experimental.pallas import tpu as pltpu
from jax.experimental.pallas import tpu_sc as plsc

B = 4
K = 256
N = 224 * 224
NC, NS, L = 2, 16, 16
NW = NC * NS
CPB = NW // B
CHUNK = N // CPB
NV = CHUNK // L
NB = 3136
NBLK = N // NB
MASK_THRESH = 0.001
INF = float("inf")


def _sort_body(c_ref, o_ref):
    c = c_ref[...]
    ci = c[:, :, None]
    cj = c[:, None, :]
    ii = lax.broadcasted_iota(jnp.int32, (B, K, K), 1)
    jj = lax.broadcasted_iota(jnp.int32, (B, K, K), 2)
    lt = (cj < ci) | ((cj == ci) & (jj < ii))
    rank = jnp.sum(lt.astype(jnp.float32), axis=2).astype(jnp.int32)
    rr = lax.broadcasted_iota(jnp.int32, (B, K, K), 2)
    onehot = (rank[:, :, None] == rr).astype(jnp.float32)
    o_ref[...] = jnp.sum(onehot * ci, axis=1)


def _sort_centers(c):
    return pl.pallas_call(
        _sort_body,
        out_shape=jax.ShapeDtypeStruct((B, K), jnp.float32),
    )(c)


def _sc_body(y_hbm, cs_hbm, scal_hbm, y_v, c_v, st_v):
    wid = lax.axis_index("s") * NC + lax.axis_index("c")
    b = wid // CPB

    pltpu.sync_copy(y_hbm.at[pl.ds(wid * CHUNK, CHUNK)], y_v)
    pltpu.sync_copy(cs_hbm.at[pl.ds(b * K, K)], c_v)

    zero = jnp.zeros((L,), jnp.float32)

    def body(i, carry):
        ssum, scnt = carry
        yv = y_v[pl.ds(i * L, L)]
        valid = yv >= MASK_THRESH
        lo = jnp.zeros((L,), jnp.int32)
        hi = jnp.full((L,), K, jnp.int32)
        for _ in range(9):
            mid = (lo + hi) >> 1
            cm = plsc.load_gather(c_v, [jnp.minimum(mid, K - 1)])
            le = (cm <= yv) & (mid < K)
            lo = jnp.where(le, mid + 1, lo)
            hi = jnp.where(le, hi, mid)
        s = lo
        c_lo = plsc.load_gather(c_v, [jnp.maximum(s - 1, 0)])
        c_hi = plsc.load_gather(c_v, [jnp.minimum(s, K - 1)])
        d_lo = jnp.where(s > 0, (yv - c_lo) * (yv - c_lo), INF)
        d_hi = jnp.where(s < K, (c_hi - yv) * (c_hi - yv), INF)
        dy = jnp.minimum(d_lo, d_hi)
        ssum = ssum + jnp.where(valid, dy, 0.0)
        scnt = scnt + jnp.where(valid, 1.0, 0.0)
        return ssum, scnt

    ssum, scnt = plsc.parallel_loop(0, NV, unroll=8, carry=(zero, zero))(body)

    st_v[pl.ds(0, L)] = ssum
    st_v[pl.ds(L, L)] = scnt
    pltpu.sync_copy(st_v.at[pl.ds(0, L)], scal_hbm.at[pl.ds(wid * L, L)])
    pltpu.sync_copy(st_v.at[pl.ds(L, L)], scal_hbm.at[pl.ds((NW + wid) * L, L)])


def _sc_main(y_flat, cs_flat):
    mesh = plsc.VectorSubcoreMesh(
        core_axis_name="c", subcore_axis_name="s",
        num_cores=NC, num_subcores=NS)
    fn = functools.partial(
        pl.kernel,
        out_type=jax.ShapeDtypeStruct((2 * NW * L,), jnp.float32),
        mesh=mesh,
        compiler_params=pltpu.CompilerParams(needs_layout_passes=False),
        scratch_types=[
            pltpu.VMEM((CHUNK,), jnp.float32),
            pltpu.VMEM((K,), jnp.float32),
            pltpu.VMEM((2 * L,), jnp.float32),
        ],
    )(_sc_body)
    return fn(y_flat, cs_flat)


NR = N // 128
RU = 4


def _chamx_body(y_ref, ct_ref, o_ref):
    ct = ct_ref[...]

    def step(r, acc):
        for u in range(RU):
            yrow = y_ref[0, pl.ds(r * RU + u, 1), :]
            ym = jnp.where(yrow >= MASK_THRESH, yrow, INF)
            d = ct - ym
            acc = jnp.minimum(acc, d * d)
        return acc

    acc0 = jnp.full((K, 128), INF, jnp.float32)
    o_ref[...] = lax.fori_loop(0, NR // RU, step, acc0)


def _chamx(y3, ctp):
    return pl.pallas_call(
        _chamx_body,
        grid=(B,),
        in_specs=[
            pl.BlockSpec((1, NR, 128), lambda b: (b, 0, 0)),
            pl.BlockSpec((K, 128), lambda b: (0, b)),
        ],
        out_specs=pl.BlockSpec((K, 128), lambda b: (0, b)),
        out_shape=jax.ShapeDtypeStruct((K, B * 128), jnp.float32),
    )(y3, ctp)


def _combine_body(scal_ref, cx_ref, o_ref):
    sc = scal_ref[...]
    tot = jnp.sum(sc, axis=1, keepdims=True)
    cham_y = tot[:B] / jnp.maximum(tot[B:], 1.0)
    cx = cx_ref[...]
    cx_tot = jnp.zeros((), jnp.float32)
    for b in range(B):
        m = jnp.min(cx[:, b * 128:(b + 1) * 128], axis=1)
        cx_tot = cx_tot + jnp.sum(m)
    o_ref[0, 0] = (cx_tot / K + jnp.sum(cham_y)) / B


def _combine(scal, cx):
    return pl.pallas_call(
        _combine_body,
        out_shape=jax.ShapeDtypeStruct((1, 1), jnp.float32),
        out_specs=pl.BlockSpec(memory_space=pltpu.SMEM),
    )(scal, cx)


def kernel(image, pred, centers):
    y = image.reshape(B * N)
    y3 = image.reshape(B, N // 128, 128)
    c = centers.reshape(B, K)
    ctp = jnp.repeat(c.T, 128, axis=1)
    cs = _sort_centers(c)
    scal = _sc_main(y, cs.reshape(B * K))
    cx = _chamx(y3, ctp)
    loss = _combine(scal.reshape(2 * B, CPB * L), cx)
    return loss[0, 0]

# --- scband reference (transcript-rebuilt; emitter-appended) ---
"""Pipeline reference for scband-center-loss-63952063037917 (READ-ONLY COPY).

The authoritative reference and input builder live on the scoring server;
editing this copy changes nothing except your own understanding.
"""

import jax, jax.numpy as jnp
import numpy as np


def setup_inputs(seed: int = 0) -> dict:
    key = jax.random.key(seed)
    k1, k2, k3 = jax.random.split(key, 3)
    image = jax.random.uniform(k1, (4, 224, 224), dtype=jnp.float32)
    pred = jax.random.uniform(k2, (4, 256), dtype=jnp.float32)
    centers = jax.random.uniform(k3, (4, 256, 1, 1), dtype=jnp.float32)
    return {"image": image, "pred": pred, "centers": centers}


def _chamfer_1d(x, y, y_mask):
    # x: [B, K, 1] valid centers, y: [B, N, 1] padded/masked target points, y_mask: [B, N] bool
    # Pairwise squared distances in 1-D: [B, K, N]
    d = (x[:, :, None, 0] - y[:, None, :, 0]) ** 2
    # x -> nearest valid y  (mask invalid y with +inf)
    d_x = jnp.where(y_mask[:, None, :], d, jnp.inf)
    cham_x = jnp.min(d_x, axis=2)              # [B, K]
    cham_x = jnp.mean(cham_x, axis=1)          # [B] point_reduction='mean' over K
    # valid y -> nearest x
    d_y = jnp.min(d, axis=1)                   # [B, N]
    y_lengths = jnp.sum(y_mask.astype(jnp.float32), axis=1)  # [B]
    cham_y = jnp.sum(jnp.where(y_mask, d_y, 0.0), axis=1) / jnp.maximum(y_lengths, 1.0)
    return cham_x + cham_y                     # [B]


def reference(image, pred, centers):
    # Faithful translation of CenterLoss.forward.
    # pred is accepted but unused by the original module.
    B = image.shape[0]
    target = image.reshape(B, -1)              # flatten(1) -> [B, N]
    mask = target >= 0.001                     # ge(0.001)
    # pad_sequence packs valid points to the front; chamfer only depends on the
    # multiset of valid values, so masking is mathematically equivalent.
    x = centers.squeeze(-1)                    # [B, K, 1]
    y = target[..., None]                      # [B, N, 1]
    per_batch = _chamfer_1d(x, y, mask)        # [B]
    loss = jnp.mean(per_batch)                 # batch_reduction='mean', then .mean()
    return loss

if __name__ == "__main__":
    import jax
    _d = setup_inputs()
    print(jax.jit(kernel)(*tuple(_d.values())))

</pallas_src>

<mosaic_0001>
#map = affine_map<(d0, d1) -> (0)>
module attributes {stable_mosaic.version = 14 : i64} {
  func.func @_sc_body(%arg0: i32, %arg1: i32, %arg2: memref<200704xf32, #tpu.memory_space<hbm>>, %arg3: memref<1024xf32, #tpu.memory_space<hbm>>, %arg4: memref<1024xf32, #tpu.memory_space<hbm>>, %arg5: memref<6272xf32, #tpu.memory_space<vmem>>, %arg6: memref<256xf32, #tpu.memory_space<vmem>>, %arg7: memref<32xf32, #tpu.memory_space<vmem>>) attributes {dimension_semantics = [#tpu.dimension_semantics<core_parallel>, #tpu.dimension_semantics<subcore_parallel>], iteration_bounds = array<i64: 2, 16>, scalar_prefetch = 0 : i64, scratch_operands = 3 : i64, tpu.core_type = #tpu.core_type<sc_vector_subcore>, window_params = [{transform_indices = #map}, {transform_indices = #map}, {transform_indices = #map}]} {
    %mul3A = arith.constant 2 : i32
    %mul3A_0 = arith.muli %arg1, %mul3A : i32
    %add3A = arith.addi %mul3A_0, %arg0 : i32
    %jit3A = arith.constant 8 : i32
    %div3A = arith.divsi %add3A, %jit3A : i32
    %sign3A = arith.constant 0 : i32
    %sign3A_1 = arith.cmpi sgt, %add3A, %sign3A : i32
    %sign3A_2 = arith.extui %sign3A_1 : i1 to i32
    %sign3A_3 = arith.constant 0 : i32
    %sign3A_4 = arith.cmpi slt, %add3A, %sign3A_3 : i32
    %sign3A_5 = arith.extui %sign3A_4 : i1 to i32
    %sign3A_6 = arith.subi %sign3A_2, %sign3A_5 : i32
    %sign3A_7 = arith.constant 0 : i32
    %sign3A_8 = arith.cmpi sgt, %jit3A, %sign3A_7 : i32
    %sign3A_9 = arith.extui %sign3A_8 : i1 to i32
    %sign3A_10 = arith.constant 0 : i32
    %sign3A_11 = arith.cmpi slt, %jit3A, %sign3A_10 : i32
    %sign3A_12 = arith.extui %sign3A_11 : i1 to i32
    %sign3A_13 = arith.subi %sign3A_9, %sign3A_12 : i32
    %ne3A = arith.cmpi ne, %sign3A_6, %sign3A_13 : i32
    %rem3A = arith.remsi %add3A, %jit3A : i32
    %ne3A_14 = arith.constant 0 : i32
    %ne3A_15 = arith.cmpi ne, %rem3A, %ne3A_14 : i32
    %and3A = arith.andi %ne3A, %ne3A_15 : i1
    %sub3A = arith.constant 1 : i32
    %sub3A_16 = arith.subi %div3A, %sub3A : i32
    %select_n3A = arith.select %and3A, %sub3A_16, %div3A : i32
    %mul3A_17 = arith.constant 6272 : i32
    %mul3A_18 = arith.muli %add3A, %mul3A_17 : i32
    "tpu.region"() ({
      %run_scoped3A = tpu.sem_alloc : memref<!tpu.dma_semaphore, #tpu.memory_space<semaphore_mem>>
      %dma_start3A = tpu.memref_slice %arg2[%mul3A_18] : memref<200704xf32, #tpu.memory_space<hbm>> -> memref<6272xf32, #tpu.memory_space<hbm>>
      %dma_start3A_34 = tpu.memref_slice %arg2[%mul3A_18] : memref<200704xf32, #tpu.memory_space<hbm>> -> memref<6272xf32, #tpu.memory_space<hbm>>
      tpu.enqueue_dma source(%dma_start3A_34 : memref<6272xf32, #tpu.memory_space<hbm>>) target(%arg5 : memref<6272xf32, #tpu.memory_space<vmem>>) target_semaphore(%run_scoped3A : memref<!tpu.dma_semaphore, #tpu.memory_space<semaphore_mem>>)
      %dma_wait3A = tpu.memref_slice %arg2[%mul3A_18] : memref<200704xf32, #tpu.memory_space<hbm>> -> memref<6272xf32, #tpu.memory_space<hbm>>
      %dma_wait3A_35 = tpu.memref_slice %arg2[%mul3A_18] : memref<200704xf32, #tpu.memory_space<hbm>> -> memref<6272xf32, #tpu.memory_space<hbm>>
      tpu.wait_dma2 semaphore(%run_scoped3A : memref<!tpu.dma_semaphore, #tpu.memory_space<semaphore_mem>>) src(%dma_wait3A_35 : memref<6272xf32, #tpu.memory_space<hbm>>) dst(%arg5 : memref<6272xf32, #tpu.memory_space<vmem>>)
      tpu.yield
    }) : () -> ()
    %mul3A_19 = arith.constant 256 : i32
    %mul3A_20 = arith.muli %select_n3A, %mul3A_19 : i32
    "tpu.region"() ({
      %run_scoped3A = tpu.sem_alloc : memref<!tpu.dma_semaphore, #tpu.memory_space<semaphore_mem>>
      %dma_start3A = tpu.memref_slice %arg3[%mul3A_20] : memref<1024xf32, #tpu.memory_space<hbm>> -> memref<256xf32, #tpu.memory_space<hbm>>
      %dma_start3A_34 = tpu.memref_slice %arg3[%mul3A_20] : memref<1024xf32, #tpu.memory_space<hbm>> -> memref<256xf32, #tpu.memory_space<hbm>>
      tpu.enqueue_dma source(%dma_start3A_34 : memref<256xf32, #tpu.memory_space<hbm>>) target(%arg6 : memref<256xf32, #tpu.memory_space<vmem>>) target_semaphore(%run_scoped3A : memref<!tpu.dma_semaphore, #tpu.memory_space<semaphore_mem>>)
      %dma_wait3A = tpu.memref_slice %arg3[%mul3A_20] : memref<1024xf32, #tpu.memory_space<hbm>> -> memref<256xf32, #tpu.memory_space<hbm>>
      %dma_wait3A_35 = tpu.memref_slice %arg3[%mul3A_20] : memref<1024xf32, #tpu.memory_space<hbm>> -> memref<256xf32, #tpu.memory_space<hbm>>
      tpu.wait_dma2 semaphore(%run_scoped3A : memref<!tpu.dma_semaphore, #tpu.memory_space<semaphore_mem>>) src(%dma_wait3A_35 : memref<256xf32, #tpu.memory_space<hbm>>) dst(%arg6 : memref<256xf32, #tpu.memory_space<vmem>>)
      tpu.yield
    }) : () -> ()
    %broadcast_in_dim3A = arith.constant 0.000000e+00 : f32
    %broadcast_in_dim3A_21 = vector.broadcast %broadcast_in_dim3A : f32 to vector<16xf32>
    %parallel_loop3A = arith.constant 0 : i32
    %parallel_loop3A_22 = arith.constant 392 : i32
    %parallel_loop3A_23 = arith.constant 1 : i32
    %parallel_loop3A_24:2 = scf.for %parallel_loop3A_34 = %parallel_loop3A to %parallel_loop3A_22 step %parallel_loop3A_23 iter_args(%parallel_loop3A_35 = %broadcast_in_dim3A_21, %parallel_loop3A_36 = %broadcast_in_dim3A_21) -> (vector<16xf32>, vector<16xf32>)  : i32 {
      %parallel_loop3A_37 = arith.constant 16 : i32
      %parallel_loop3A_38 = arith.muli %parallel_loop3A_34, %parallel_loop3A_37 : i32
      %parallel_loop3A_39 = arith.index_cast %parallel_loop3A_38 : i32 to index
      %parallel_loop3A_40 = tpu.vector_load %arg5[%parallel_loop3A_39] {strides = array<i32>} : memref<6272xf32, #tpu.memory_space<vmem>>, vector<16xf32>,
      %parallel_loop3A_41 = arith.constant 1.000000e-03 : f32
      %parallel_loop3A_42 = vector.broadcast %parallel_loop3A_41 : f32 to vector<16xf32>
      %parallel_loop3A_43 = arith.cmpf oge, %parallel_loop3A_40, %parallel_loop3A_42 : vector<16xf32>
      %parallel_loop3A_44 = arith.constant 0 : i32
      %parallel_loop3A_45 = vector.broadcast %parallel_loop3A_44 : i32 to vector<16xi32>
      %parallel_loop3A_46 = arith.constant 256 : i32
      %parallel_loop3A_47 = vector.broadcast %parallel_loop3A_46 : i32 to vector<16xi32>
      %parallel_loop3A_48 = arith.addi %parallel_loop3A_45, %parallel_loop3A_47 : vector<16xi32>
      %parallel_loop3A_49 = arith.constant 1 : i32
      %parallel_loop3A_50 = vector.broadcast %parallel_loop3A_49 : i32 to vector<16xi32>
      %parallel_loop3A_51 = arith.shrsi %parallel_loop3A_48, %parallel_loop3A_50 : vector<16xi32>
      %parallel_loop3A_52 = arith.constant 255 : i32
      %parallel_loop3A_53 = vector.broadcast %parallel_loop3A_52 : i32 to vector<16xi32>
      %parallel_loop3A_54 = arith.minsi %parallel_loop3A_51, %parallel_loop3A_53 : vector<16xi32>
      %parallel_loop3A_55 = tpu.vector_load_idx %arg6[%parallel_loop3A_54] : memref<256xf32, #tpu.memory_space<vmem>>[vector<16xi32>], vector<16xf32>,
      %parallel_loop3A_56 = arith.cmpf ole, %parallel_loop3A_55, %parallel_loop3A_40 : vector<16xf32>
      %parallel_loop3A_57 = arith.constant 256 : i32
      %parallel_loop3A_58 = vector.broadcast %parallel_loop3A_57 : i32 to vector<16xi32>
      %parallel_loop3A_59 = arith.cmpi slt, %parallel_loop3A_51, %parallel_loop3A_58 : vector<16xi32>
      %parallel_loop3A_60 = arith.andi %parallel_loop3A_56, %parallel_loop3A_59 : vector<16xi1>
      %parallel_loop3A_61 = arith.constant 1 : i32
      %parallel_loop3A_62 = vector.broadcast %parallel_loop3A_61 : i32 to vector<16xi32>
      %parallel_loop3A_63 = arith.addi %parallel_loop3A_51, %parallel_loop3A_62 : vector<16xi32>
      %parallel_loop3A_64 = arith.select %parallel_loop3A_60, %parallel_loop3A_63, %parallel_loop3A_45 : vector<16xi1>, vector<16xi32>
      %parallel_loop3A_65 = arith.select %parallel_loop3A_60, %parallel_loop3A_47, %parallel_loop3A_51 : vector<16xi1>, vector<16xi32>
      %parallel_loop3A_66 = arith.addi %parallel_loop3A_64, %parallel_loop3A_65 : vector<16xi32>
      %parallel_loop3A_67 = arith.constant 1 : i32
      %parallel_loop3A_68 = vector.broadcast %parallel_loop3A_67 : i32 to vector<16xi32>
      %parallel_loop3A_69 = arith.shrsi %parallel_loop3A_66, %parallel_loop3A_68 : vector<16xi32>
      %parallel_loop3A_70 = arith.constant 255 : i32
      %parallel_loop3A_71 = vector.broadcast %parallel_loop3A_70 : i32 to vector<16xi32>
      %parallel_loop3A_72 = arith.minsi %parallel_loop3A_69, %parallel_loop3A_71 : vector<16xi32>
      %parallel_loop3A_73 = tpu.vector_load_idx %arg6[%parallel_loop3A_72] : memref<256xf32, #tpu.memory_space<vmem>>[vector<16xi32>], vector<16xf32>,
      %parallel_loop3A_74 = arith.cmpf ole, %parallel_loop3A_73, %parallel_loop3A_40 : vector<16xf32>
      %parallel_loop3A_75 = arith.constant 256 : i32
      %parallel_loop3A_76 = vector.broadcast %parallel_loop3A_75 : i32 to vector<16xi32>
      %parallel_loop3A_77 = arith.cmpi slt, %parallel_loop3A_69, %parallel_loop3A_76 : vector<16xi32>
      %parallel_loop3A_78 = arith.andi %parallel_loop3A_74, %parallel_loop3A_77 : vector<16xi1>
      %parallel_loop3A_79 = arith.constant 1 : i32
      %parallel_loop3A_80 = vector.broadcast %parallel_loop3A_79 : i32 to vector<16xi32>
      %parallel_loop3A_81 = arith.addi %parallel_loop3A_69, %parallel_loop3A_80 : vector<16xi32>
      %parallel_loop3A_82 = arith.select %parallel_loop3A_78, %parallel_loop3A_81, %parallel_loop3A_64 : vector<16xi1>, vector<16xi32>
      %parallel_loop3A_83 = arith.select %parallel_loop3A_78, %parallel_loop3A_65, %parallel_loop3A_69 : vector<16xi1>, vector<16xi32>
      %parallel_loop3A_84 = arith.addi %parallel_loop3A_82, %parallel_loop3A_83 : vector<16xi32>
      %parallel_loop3A_85 = arith.constant 1 : i32
      %parallel_loop3A_86 = vector.broadcast %parallel_loop3A_85 : i32 to vector<16xi32>
      %parallel_loop3A_87 = arith.shrsi %parallel_loop3A_84, %parallel_loop3A_86 : vector<16xi32>
      %parallel_loop3A_88 = arith.constant 255 : i32
      %parallel_loop3A_89 = vector.broadcast %parallel_loop3A_88 : i32 to vector<16xi32>
      %parallel_loop3A_90 = arith.minsi %parallel_loop3A_87, %parallel_loop3A_89 : vector<16xi32>
      %parallel_loop3A_91 = tpu.vector_load_idx %arg6[%parallel_loop3A_90] : memref<256xf32, #tpu.memory_space<vmem>>[vector<16xi32>], vector<16xf32>,
      %parallel_loop3A_92 = arith.cmpf ole, %parallel_loop3A_91, %parallel_loop3A_40 : vector<16xf32>
      %parallel_loop3A_93 = arith.constant 256 : i32
      %parallel_loop3A_94 = vector.broadcast %parallel_loop3A_93 : i32 to vector<16xi32>
      %parallel_loop3A_95 = arith.cmpi slt, %parallel_loop3A_87, %parallel_loop3A_94 : vector<16xi32>
      %parallel_loop3A_96 = arith.andi %parallel_loop3A_92, %parallel_loop3A_95 : vector<16xi1>
      %parallel_loop3A_97 = arith.constant 1 : i32
      %parallel_loop3A_98 = vector.broadcast %parallel_loop3A_97 : i32 to vector<16xi32>
      %parallel_loop3A_99 = arith.addi %parallel_loop3A_87, %parallel_loop3A_98 : vector<16xi32>
      %parallel_loop3A_100 = arith.select %parallel_loop3A_96, %parallel_loop3A_99, %parallel_loop3A_82 : vector<16xi1>, vector<16xi32>
      %parallel_loop3A_101 = arith.select %parallel_loop3A_96, %parallel_loop3A_83, %parallel_loop3A_87 : vector<16xi1>, vector<16xi32>
      %parallel_loop3A_102 = arith.addi %parallel_loop3A_100, %parallel_loop3A_101 : vector<16xi32>
      %parallel_loop3A_103 = arith.constant 1 : i32
      %parallel_loop3A_104 = vector.broadcast %parallel_loop3A_103 : i32 to vector<16xi32>
      %parallel_loop3A_105 = arith.shrsi %parallel_loop3A_102, %parallel_loop3A_104 : vector<16xi32>
      %parallel_loop3A_106 = arith.constant 255 : i32
      %parallel_loop3A_107 = vector.broadcast %parallel_loop3A_106 : i32 to vector<16xi32>
      %parallel_loop3A_108 = arith.minsi %parallel_loop3A_105, %parallel_loop3A_107 : vector<16xi32>
      %parallel_loop3A_109 = tpu.vector_load_idx %arg6[%parallel_loop3A_108] : memref<256xf32, #tpu.memory_space<vmem>>[vector<16xi32>], vector<16xf32>,
      %parallel_loop3A_110 = arith.cmpf ole, %parallel_loop3A_109, %parallel_loop3A_40 : vector<16xf32>
      %parallel_loop3A_111 = arith.constant 256 : i32
      %parallel_loop3A_112 = vector.broadcast %parallel_loop3A_111 : i32 to vector<16xi32>
      %parallel_loop3A_113 = arith.cmpi slt, %parallel_loop3A_105, %parallel_loop3A_112 : vector<16xi32>
      %parallel_loop3A_114 = arith.andi %parallel_loop3A_110, %parallel_loop3A_113 : vector<16xi1>
      %parallel_loop3A_115 = arith.constant 1 : i32
      %parallel_loop3A_116 = vector.broadcast %parallel_loop3A_115 : i32 to vector<16xi32>
      %parallel_loop3A_117 = arith.addi %parallel_loop3A_105, %parallel_loop3A_116 : vector<16xi32>
      %parallel_loop3A_118 = arith.select %parallel_loop3A_114, %parallel_loop3A_117, %parallel_loop3A_100 : vector<16xi1>, vector<16xi32>
      %parallel_loop3A_119 = arith.select %parallel_loop3A_114, %parallel_loop3A_101, %parallel_loop3A_105 : vector<16xi1>, vector<16xi32>
      %parallel_loop3A_120 = arith.addi %parallel_loop3A_118, %parallel_loop3A_119 : vector<16xi32>
      %parallel_loop3A_121 = arith.constant 1 : i32
      %parallel_loop3A_122 = vector.broadcast %parallel_loop3A_121 : i32 to vector<16xi32>
      %parallel_loop3A_123 = arith.shrsi %parallel_loop3A_120, %parallel_loop3A_122 : vector<16xi32>
      %parallel_loop3A_124 = arith.constant 255 : i32
      %parallel_loop3A_125 = vector.broadcast %parallel_loop3A_124 : i32 to vector<16xi32>
      %parallel_loop3A_126 = arith.minsi %parallel_loop3A_123, %parallel_loop3A_125 : vector<16xi32>
      %parallel_loop3A_127 = tpu.vector_load_idx %arg6[%parallel_loop3A_126] : memref<256xf32, #tpu.memory_space<vmem>>[vector<16xi32>], vector<16xf32>,
      %parallel_loop3A_128 = arith.cmpf ole, %parallel_loop3A_127, %parallel_loop3A_40 : vector<16xf32>
      %parallel_loop3A_129 = arith.constant 256 : i32
      %parallel_loop3A_130 = vector.broadcast %parallel_loop3A_129 : i32 to vector<16xi32>
      %parallel_loop3A_131 = arith.cmpi slt, %parallel_loop3A_123, %parallel_loop3A_130 : vector<16xi32>
      %parallel_loop3A_132 = arith.andi %parallel_loop3A_128, %parallel_loop3A_131 : vector<16xi1>
      %parallel_loop3A_133 = arith.constant 1 : i32
      %parallel_loop3A_134 = vector.broadcast %parallel_loop3A_133 : i32 to vector<16xi32>
      %parallel_loop3A_135 = arith.addi %parallel_loop3A_123, %parallel_loop3A_134 : vector<16xi32>
      %parallel_loop3A_136 = arith.select %parallel_loop3A_132, %parallel_loop3A_135, %parallel_loop3A_118 : vector<16xi1>, vector<16xi32>
      %parallel_loop3A_137 = arith.select %parallel_loop3A_132, %parallel_loop3A_119, %parallel_loop3A_123 : vector<16xi1>, vector<16xi32>
      %parallel_loop3A_138 = arith.addi %parallel_loop3A_136, %parallel_loop3A_137 : vector<16xi32>
      %parallel_loop3A_139 = arith.constant 1 : i32
      %parallel_loop3A_140 = vector.broadcast %parallel_loop3A_139 : i32 to vector<16xi32>
      %parallel_loop3A_141 = arith.shrsi %parallel_loop3A_138, %parallel_loop3A_140 : vector<16xi32>
      %parallel_loop3A_142 = arith.constant 255 : i32
      %parallel_loop3A_143 = vector.broadcast %parallel_loop3A_142 : i32 to vector<16xi32>
      %parallel_loop3A_144 = arith.minsi %parallel_loop3A_141, %parallel_loop3A_143 : vector<16xi32>
      %parallel_loop3A_145 = tpu.vector_load_idx %arg6[%parallel_loop3A_144] : memref<256xf32, #tpu.memory_space<vmem>>[vector<16xi32>], vector<16xf32>,
      %parallel_loop3A_146 = arith.cmpf ole, %parallel_loop3A_145, %parallel_loop3A_40 : vector<16xf32>
      %parallel_loop3A_147 = arith.constant 256 : i32
      %parallel_loop3A_148 = vector.broadcast %parallel_loop3A_147 : i32 to vector<16xi32>
      %parallel_loop3A_149 = arith.cmpi slt, %parallel_loop3A_141, %parallel_loop3A_148 : vector<16xi32>
      %parallel_loop3A_150 = arith.andi %parallel_loop3A_146, %parallel_loop3A_149 : vector<16xi1>
      %parallel_loop3A_151 = arith.constant 1 : i32
      %parallel_loop3A_152 = vector.broadcast %parallel_loop3A_151 : i32 to vector<16xi32>
      %parallel_loop3A_153 = arith.addi %parallel_loop3A_141, %parallel_loop3A_152 : vector<16xi32>
      %parallel_loop3A_154 = arith.select %parallel_loop3A_150, %parallel_loop3A_153, %parallel_loop3A_136 : vector<16xi1>, vector<16xi32>
      %parallel_loop3A_155 = arith.select %parallel_loop3A_150, %parallel_loop3A_137, %parallel_loop3A_141 : vector<16xi1>, vector<16xi32>
      %parallel_loop3A_156 = arith.addi %parallel_loop3A_154, %parallel_loop3A_155 : vector<16xi32>
      %parallel_loop3A_157 = arith.constant 1 : i32
      %parallel_loop3A_158 = vector.broadcast %parallel_loop3A_157 : i32 to vector<16xi32>
      %parallel_loop3A_159 = arith.shrsi %parallel_loop3A_156, %parallel_loop3A_158 : vector<16xi32>
      %parallel_loop3A_160 = arith.constant 255 : i32
      %parallel_loop3A_161 = vector.broadcast %parallel_loop3A_160 : i32 to vector<16xi32>
      %parallel_loop3A_162 = arith.minsi %parallel_loop3A_159, %parallel_loop3A_161 : vector<16xi32>
      %parallel_loop3A_163 = tpu.vector_load_idx %arg6[%parallel_loop3A_162] : memref<256xf32, #tpu.memory_space<vmem>>[vector<16xi32>], vector<16xf32>,
      %parallel_loop3A_164 = arith.cmpf ole, %parallel_loop3A_163, %parallel_loop3A_40 : vector<16xf32>
      %parallel_loop3A_165 = arith.constant 256 : i32
      %parallel_loop3A_166 = vector.broadcast %parallel_loop3A_165 : i32 to vector<16xi32>
      %parallel_loop3A_167 = arith.cmpi slt, %parallel_loop3A_159, %parallel_loop3A_166 : vector<16xi32>
      %parallel_loop3A_168 = arith.andi %parallel_loop3A_164, %parallel_loop3A_167 : vector<16xi1>
      %parallel_loop3A_169 = arith.constant 1 : i32
      %parallel_loop3A_170 = vector.broadcast %parallel_loop3A_169 : i32 to vector<16xi32>
      %parallel_loop3A_171 = arith.addi %parallel_loop3A_159, %parallel_loop3A_170 : vector<16xi32>
      %parallel_loop3A_172 = arith.select %parallel_loop3A_168, %parallel_loop3A_171, %parallel_loop3A_154 : vector<16xi1>, vector<16xi32>
      %parallel_loop3A_173 = arith.select %parallel_loop3A_168, %parallel_loop3A_155, %parallel_loop3A_159 : vector<16xi1>, vector<16xi32>
      %parallel_loop3A_174 = arith.addi %parallel_loop3A_172, %parallel_loop3A_173 : vector<16xi32>
      %parallel_loop3A_175 = arith.constant 1 : i32
      %parallel_loop3A_176 = vector.broadcast %parallel_loop3A_175 : i32 to vector<16xi32>
      %parallel_loop3A_177 = arith.shrsi %parallel_loop3A_174, %parallel_loop3A_176 : vector<16xi32>
      %parallel_loop3A_178 = arith.constant 255 : i32
      %parallel_loop3A_179 = vector.broadcast %parallel_loop3A_178 : i32 to vector<16xi32>
      %parallel_loop3A_180 = arith.minsi %parallel_loop3A_177, %parallel_loop3A_179 : vector<16xi32>
      %parallel_loop3A_181 = tpu.vector_load_idx %arg6[%parallel_loop3A_180] : memref<256xf32, #tpu.memory_space<vmem>>[vector<16xi32>], vector<16xf32>,
      %parallel_loop3A_182 = arith.cmpf ole, %parallel_loop3A_181, %parallel_loop3A_40 : vector<16xf32>
      %parallel_loop3A_183 = arith.constant 256 : i32
      %parallel_loop3A_184 = vector.broadcast %parallel_loop3A_183 : i32 to vector<16xi32>
      %parallel_loop3A_185 = arith.cmpi slt, %parallel_loop3A_177, %parallel_loop3A_184 : vector<16xi32>
      %parallel_loop3A_186 = arith.andi %parallel_loop3A_182, %parallel_loop3A_185 : vector<16xi1>
      %parallel_loop3A_187 = arith.constant 1 : i32
      %parallel_loop3A_188 = vector.broadcast %parallel_loop3A_187 : i32 to vector<16xi32>
      %parallel_loop3A_189 = arith.addi %parallel_loop3A_177, %parallel_loop3A_188 : vector<16xi32>
      %parallel_loop3A_190 = arith.select %parallel_loop3A_186, %parallel_loop3A_189, %parallel_loop3A_172 : vector<16xi1>, vector<16xi32>
      %parallel_loop3A_191 = arith.select %parallel_loop3A_186, %parallel_loop3A_173, %parallel_loop3A_177 : vector<16xi1>, vector<16xi32>
      %parallel_loop3A_192 = arith.addi %parallel_loop3A_190, %parallel_loop3A_191 : vector<16xi32>
      %parallel_loop3A_193 = arith.constant 1 : i32
      %parallel_loop3A_194 = vector.broadcast %parallel_loop3A_193 : i32 to vector<16xi32>
      %parallel_loop3A_195 = arith.shrsi %parallel_loop3A_192, %parallel_loop3A_194 : vector<16xi32>
      %parallel_loop3A_196 = arith.constant 255 : i32
      %parallel_loop3A_197 = vector.broadcast %parallel_loop3A_196 : i32 to vector<16xi32>
      %parallel_loop3A_198 = arith.minsi %parallel_loop3A_195, %parallel_loop3A_197 : vector<16xi32>
      %parallel_loop3A_199 = tpu.vector_load_idx %arg6[%parallel_loop3A_198] : memref<256xf32, #tpu.memory_space<vmem>>[vector<16xi32>], vector<16xf32>,
      %parallel_loop3A_200 = arith.cmpf ole, %parallel_loop3A_199, %parallel_loop3A_40 : vector<16xf32>
      %parallel_loop3A_201 = arith.constant 256 : i32
      %parallel_loop3A_202 = vector.broadcast %parallel_loop3A_201 : i32 to vector<16xi32>
      %parallel_loop3A_203 = arith.cmpi slt, %parallel_loop3A_195, %parallel_loop3A_202 : vector<16xi32>
      %parallel_loop3A_204 = arith.andi %parallel_loop3A_200, %parallel_loop3A_203 : vector<16xi1>
      %parallel_loop3A_205 = arith.constant 1 : i32
      %parallel_loop3A_206 = vector.broadcast %parallel_loop3A_205 : i32 to vector<16xi32>
      %parallel_loop3A_207 = arith.addi %parallel_loop3A_195, %parallel_loop3A_206 : vector<16xi32>
      %parallel_loop3A_208 = arith.select %parallel_loop3A_204, %parallel_loop3A_207, %parallel_loop3A_190 : vector<16xi1>, vector<16xi32>
      %parallel_loop3A_209 = arith.select %parallel_loop3A_204, %parallel_loop3A_191, %parallel_loop3A_195 : vector<16xi1>, vector<16xi32>
      %parallel_loop3A_210 = arith.constant 1 : i32
      %parallel_loop3A_211 = vector.broadcast %parallel_loop3A_210 : i32 to vector<16xi32>
      %parallel_loop3A_212 = arith.subi %parallel_loop3A_208, %parallel_loop3A_211 : vector<16xi32>
      %parallel_loop3A_213 = arith.constant 0 : i32
      %parallel_loop3A_214 = vector.broadcast %parallel_loop3A_213 : i32 to vector<16xi32>
      %parallel_loop3A_215 = arith.maxsi %parallel_loop3A_212, %parallel_loop3A_214 : vector<16xi32>
      %parallel_loop3A_216 = tpu.vector_load_idx %arg6[%parallel_loop3A_215] : memref<256xf32, #tpu.memory_space<vmem>>[vector<16xi32>], vector<16xf32>,
      %parallel_loop3A_217 = arith.constant 255 : i32
      %parallel_loop3A_218 = vector.broadcast %parallel_loop3A_217 : i32 to vector<16xi32>
      %parallel_loop3A_219 = arith.minsi %parallel_loop3A_208, %parallel_loop3A_218 : vector<16xi32>
      %parallel_loop3A_220 = tpu.vector_load_idx %arg6[%parallel_loop3A_219] : memref<256xf32, #tpu.memory_space<vmem>>[vector<16xi32>], vector<16xf32>,
      %parallel_loop3A_221 = arith.constant 0 : i32
      %parallel_loop3A_222 = vector.broadcast %parallel_loop3A_221 : i32 to vector<16xi32>
      %parallel_loop3A_223 = arith.cmpi sgt, %parallel_loop3A_208, %parallel_loop3A_222 : vector<16xi32>
      %parallel_loop3A_224 = arith.subf %parallel_loop3A_40, %parallel_loop3A_216 : vector<16xf32>
      %parallel_loop3A_225 = arith.subf %parallel_loop3A_40, %parallel_loop3A_216 : vector<16xf32>
      %parallel_loop3A_226 = arith.mulf %parallel_loop3A_224, %parallel_loop3A_225 : vector<16xf32>
      %parallel_loop3A_227 = arith.constant 0x7F800000 : f32
      %parallel_loop3A_228 = vector.broadcast %parallel_loop3A_227 : f32 to vector<16xf32>
      %parallel_loop3A_229 = arith.select %parallel_loop3A_223, %parallel_loop3A_226, %parallel_loop3A_228 : vector<16xi1>, vector<16xf32>
      %parallel_loop3A_230 = arith.constant 256 : i32
      %parallel_loop3A_231 = vector.broadcast %parallel_loop3A_230 : i32 to vector<16xi32>
      %parallel_loop3A_232 = arith.cmpi slt, %parallel_loop3A_208, %parallel_loop3A_231 : vector<16xi32>
      %parallel_loop3A_233 = arith.subf %parallel_loop3A_220, %parallel_loop3A_40 : vector<16xf32>
      %parallel_loop3A_234 = arith.subf %parallel_loop3A_220, %parallel_loop3A_40 : vector<16xf32>
      %parallel_loop3A_235 = arith.mulf %parallel_loop3A_233, %parallel_loop3A_234 : vector<16xf32>
      %parallel_loop3A_236 = arith.constant 0x7F800000 : f32
      %parallel_loop3A_237 = vector.broadcast %parallel_loop3A_236 : f32 to vector<16xf32>
      %parallel_loop3A_238 = arith.select %parallel_loop3A_232, %parallel_loop3A_235, %parallel_loop3A_237 : vector<16xi1>, vector<16xf32>
      %parallel_loop3A_239 = arith.minimumf %parallel_loop3A_229, %parallel_loop3A_238 : vector<16xf32>
      %parallel_loop3A_240 = arith.constant 0.000000e+00 : f32
      %parallel_loop3A_241 = vector.broadcast %parallel_loop3A_240 : f32 to vector<16xf32>
      %parallel_loop3A_242 = arith.select %parallel_loop3A_43, %parallel_loop3A_239, %parallel_loop3A_241 : vector<16xi1>, vector<16xf32>
      %parallel_loop3A_243 = arith.addf %parallel_loop3A_35, %parallel_loop3A_242 : vector<16xf32>
      %parallel_loop3A_244 = arith.constant 1.000000e+00 : f32
      %parallel_loop3A_245 = arith.constant 0.000000e+00 : f32
      %parallel_loop3A_246 = vector.broadcast %parallel_loop3A_244 : f32 to vector<16xf32>
      %parallel_loop3A_247 = vector.broadcast %parallel_loop3A_245 : f32 to vector<16xf32>
      %parallel_loop3A_248 = arith.select %parallel_loop3A_43, %parallel_loop3A_246, %parallel_loop3A_247 : vector<16xi1>, vector<16xf32>
      %parallel_loop3A_249 = arith.addf %parallel_loop3A_36, %parallel_loop3A_248 : vector<16xf32>
      scf.yield %parallel_loop3A_243, %parallel_loop3A_249 : vector<16xf32>, vector<16xf32>
    } {sc.loop_unroll_factor = 8 : i64, sc.parallel_access}
    %swap3A = arith.constant 0 : index
    %swap3A_25 = tpu.vector_load %arg7[%swap3A] {strides = array<i32>} : memref<32xf32, #tpu.memory_space<vmem>>, vector<16xf32>,
    tpu.vector_store %arg7[%swap3A], %parallel_loop3A_24#0 {strides = array<i32>} : memref<32xf32, #tpu.memory_space<vmem>>, vector<16xf32>,
    %swap3A_26 = arith.constant 16 : index
    %swap3A_27 = tpu.vector_load %arg7[%swap3A_26] {strides = array<i32>} : memref<32xf32, #tpu.memory_space<vmem>>, vector<16xf32>,
    tpu.vector_store %arg7[%swap3A_26], %parallel_loop3A_24#1 {strides = array<i32>} : memref<32xf32, #tpu.memory_space<vmem>>, vector<16xf32>,
    %mul3A_28 = arith.constant 16 : i32
    %mul3A_29 = arith.muli %add3A, %mul3A_28 : i32
    "tpu.region"() ({
      %run_scoped3A = tpu.sem_alloc : memref<!tpu.dma_semaphore, #tpu.memory_space<semaphore_mem>>
      %dma_start3A = arith.constant 0 : i32
      %dma_start3A_34 = tpu.memref_slice %arg7[%dma_start3A] : memref<32xf32, #tpu.memory_space<vmem>> -> memref<16xf32, #tpu.memory_space<vmem>>
      %dma_start3A_35 = tpu.memref_slice %arg4[%mul3A_29] : memref<1024xf32, #tpu.memory_space<hbm>> -> memref<16xf32, #tpu.memory_space<hbm>>
      %dma_start3A_36 = tpu.memref_slice %arg4[%mul3A_29] : memref<1024xf32, #tpu.memory_space<hbm>> -> memref<16xf32, #tpu.memory_space<hbm>>
      %dma_start3A_37 = arith.constant 0 : i32
      %dma_start3A_38 = tpu.memref_slice %arg7[%dma_start3A_37] : memref<32xf32, #tpu.memory_space<vmem>> -> memref<16xf32, #tpu.memory_space<vmem>>
      tpu.enqueue_dma source(%dma_start3A_38 : memref<16xf32, #tpu.memory_space<vmem>>) target(%dma_start3A_36 : memref<16xf32, #tpu.memory_space<hbm>>) target_semaphore(%run_scoped3A : memref<!tpu.dma_semaphore, #tpu.memory_space<semaphore_mem>>)
      %dma_wait3A = arith.constant 0 : i32
      %dma_wait3A_39 = tpu.memref_slice %arg7[%dma_wait3A] : memref<32xf32, #tpu.memory_space<vmem>> -> memref<16xf32, #tpu.memory_space<vmem>>
      %dma_wait3A_40 = tpu.memref_slice %arg4[%mul3A_29] : memref<1024xf32, #tpu.memory_space<hbm>> -> memref<16xf32, #tpu.memory_space<hbm>>
      %dma_wait3A_41 = tpu.memref_slice %arg4[%mul3A_29] : memref<1024xf32, #tpu.memory_space<hbm>> -> memref<16xf32, #tpu.memory_space<hbm>>
      %dma_wait3A_42 = arith.constant 0 : i32
      %dma_wait3A_43 = tpu.memref_slice %arg7[%dma_wait3A_42] : memref<32xf32, #tpu.memory_space<vmem>> -> memref<16xf32, #tpu.memory_space<vmem>>
      tpu.wait_dma2 semaphore(%run_scoped3A : memref<!tpu.dma_semaphore, #tpu.memory_space<semaphore_mem>>) src(%dma_wait3A_43 : memref<16xf32, #tpu.memory_space<vmem>>) dst(%dma_wait3A_41 : memref<16xf32, #tpu.memory_space<hbm>>)
      tpu.yield
    }) : () -> ()
    %add3A_30 = arith.constant 32 : i32
    %add3A_31 = arith.addi %add3A_30, %add3A : i32
    %mul3A_32 = arith.constant 16 : i32
    %mul3A_33 = arith.muli %add3A_31, %mul3A_32 : i32
    "tpu.region"() ({
      %run_scoped3A = tpu.sem_alloc : memref<!tpu.dma_semaphore, #tpu.memory_space<semaphore_mem>>
      %dma_start3A = arith.constant 16 : i32
      %dma_start3A_34 = tpu.memref_slice %arg7[%dma_start3A] : memref<32xf32, #tpu.memory_space<vmem>> -> memref<16xf32, #tpu.memory_space<vmem>>
      %dma_start3A_35 = tpu.memref_slice %arg4[%mul3A_33] : memref<1024xf32, #tpu.memory_space<hbm>> -> memref<16xf32, #tpu.memory_space<hbm>>
      %dma_start3A_36 = tpu.memref_slice %arg4[%mul3A_33] : memref<1024xf32, #tpu.memory_space<hbm>> -> memref<16xf32, #tpu.memory_space<hbm>>
      %dma_start3A_37 = arith.constant 16 : i32
      %dma_start3A_38 = tpu.memref_slice %arg7[%dma_start3A_37] : memref<32xf32, #tpu.memory_space<vmem>> -> memref<16xf32, #tpu.memory_space<vmem>>
      tpu.enqueue_dma source(%dma_start3A_38 : memref<16xf32, #tpu.memory_space<vmem>>) target(%dma_start3A_36 : memref<16xf32, #tpu.memory_space<hbm>>) target_semaphore(%run_scoped3A : memref<!tpu.dma_semaphore, #tpu.memory_space<semaphore_mem>>)
      %dma_wait3A = arith.constant 16 : i32
      %dma_wait3A_39 = tpu.memref_slice %arg7[%dma_wait3A] : memref<32xf32, #tpu.memory_space<vmem>> -> memref<16xf32, #tpu.memory_space<vmem>>
      %dma_wait3A_40 = tpu.memref_slice %arg4[%mul3A_33] : memref<1024xf32, #tpu.memory_space<hbm>> -> memref<16xf32, #tpu.memory_space<hbm>>
      %dma_wait3A_41 = tpu.memref_slice %arg4[%mul3A_33] : memref<1024xf32, #tpu.memory_space<hbm>> -> memref<16xf32, #tpu.memory_space<hbm>>
      %dma_wait3A_42 = arith.constant 16 : i32
      %dma_wait3A_43 = tpu.memref_slice %arg7[%dma_wait3A_42] : memref<32xf32, #tpu.memory_space<vmem>> -> memref<16xf32, #tpu.memory_space<vmem>>
      tpu.wait_dma2 semaphore(%run_scoped3A : memref<!tpu.dma_semaphore, #tpu.memory_space<semaphore_mem>>) src(%dma_wait3A_43 : memref<16xf32, #tpu.memory_space<vmem>>) dst(%dma_wait3A_41 : memref<16xf32, #tpu.memory_space<hbm>>)
      tpu.yield
    }) : () -> ()
    return
  }
}

module attributes {stable_mosaic.version = 14 : i64} {
  func.func @_sort_body(%arg0: memref<4x256xf32, #tpu.memory_space<vmem>>, %arg1: memref<4x256xf32, #tpu.memory_space<vmem>>) attributes {dimension_semantics = [], scalar_prefetch = 0 : i64, scratch_operands = 0 : i64, tpu.core_type = #tpu.core_type<tc>} {
    %get3A = arith.constant 0 : index
    %get3A_0 = arith.constant 0 : index
    %get3A_1 = vector.load %arg0[%get3A, %get3A_0] : memref<4x256xf32, #tpu.memory_space<vmem>>, vector<4x256xf32>
    %broadcast_in_dim3A = vector.shape_cast %get3A_1 : vector<4x256xf32> to vector<4x256x1xf32>
    %broadcast_in_dim3A_2 = vector.shape_cast %get3A_1 : vector<4x256xf32> to vector<4x1x256xf32>
    %iota3A = tpu.iota {dimensions = array<i32: 1>} : vector<4x256x256xi32>
    %iota3A_3 = tpu.iota {dimensions = array<i32: 2>} : vector<4x256x256xi32>
    %lt3A = vector.broadcast %broadcast_in_dim3A_2 : vector<4x1x256xf32> to vector<4x256x256xf32>
    %lt3A_4 = vector.broadcast %broadcast_in_dim3A : vector<4x256x1xf32> to vector<4x256x256xf32>
    %lt3A_5 = arith.cmpf olt, %lt3A, %lt3A_4 : vector<4x256x256xf32>
    %eq3A = vector.broadcast %broadcast_in_dim3A_2 : vector<4x1x256xf32> to vector<4x256x256xf32>
    %eq3A_6 = vector.broadcast %broadcast_in_dim3A : vector<4x256x1xf32> to vector<4x256x256xf32>
    %eq3A_7 = arith.cmpf oeq, %eq3A, %eq3A_6 : vector<4x256x256xf32>
    %lt3A_8 = arith.cmpi slt, %iota3A_3, %iota3A : vector<4x256x256xi32>
    %and3A = arith.andi %eq3A_7, %lt3A_8 : vector<4x256x256xi1>
    %or3A = arith.ori %lt3A_5, %and3A : vector<4x256x256xi1>
    %convert_element_type3A = arith.extui %or3A : vector<4x256x256xi1> to vector<4x256x256xi32>
    %convert_element_type3A_9 = arith.sitofp %convert_element_type3A : vector<4x256x256xi32> to vector<4x256x256xf32>
    %reduce_sum3A = arith.constant dense<0.000000e+00> : vector<4x256xf32>
    %reduce_sum3A_10 = vector.multi_reduction <add>, %convert_element_type3A_9, %reduce_sum3A [2] : vector<4x256x256xf32> to vector<4x256xf32>
    %convert_element_type3A_11 = arith.fptosi %reduce_sum3A_10 : vector<4x256xf32> to vector<4x256xi32>
    %iota3A_12 = tpu.iota {dimensions = array<i32: 2>} : vector<4x256x256xi32>
    %broadcast_in_dim3A_13 = vector.shape_cast %convert_element_type3A_11 : vector<4x256xi32> to vector<4x256x1xi32>
    %eq3A_14 = vector.broadcast %broadcast_in_dim3A_13 : vector<4x256x1xi32> to vector<4x256x256xi32>
    %eq3A_15 = arith.cmpi eq, %eq3A_14, %iota3A_12 : vector<4x256x256xi32>
    %convert_element_type3A_16 = arith.extui %eq3A_15 : vector<4x256x256xi1> to vector<4x256x256xi32>
    %convert_element_type3A_17 = arith.sitofp %convert_element_type3A_16 : vector<4x256x256xi32> to vector<4x256x256xf32>
    %mul3A = vector.broadcast %broadcast_in_dim3A : vector<4x256x1xf32> to vector<4x256x256xf32>
    %mul3A_18 = arith.mulf %convert_element_type3A_17, %mul3A : vector<4x256x256xf32>
    %reduce_sum3A_19 = arith.constant dense<0.000000e+00> : vector<4x256xf32>
    %reduce_sum3A_20 = vector.multi_reduction <add>, %mul3A_18, %reduce_sum3A_19 [1] : vector<4x256x256xf32> to vector<4x256xf32>
    %swap3A = arith.constant 0 : index
    %swap3A_21 = arith.constant 0 : index
    %swap3A_22 = vector.load %arg1[%swap3A, %swap3A_21] : memref<4x256xf32, #tpu.memory_space<vmem>>, vector<4x256xf32>
    tpu.vector_store %arg1[%swap3A, %swap3A_21], %reduce_sum3A_20 {strides = array<i32>} : memref<4x256xf32, #tpu.memory_space<vmem>>, vector<4x256xf32>,
    return
  }
}

module attributes {stable_mosaic.version = 14 : i64} {
  func.func @_chamx_body(%arg0: i32, %arg1: memref<1x392x128xf32, #tpu.memory_space<vmem>>, %arg2: memref<256x128xf32, #tpu.memory_space<vmem>>, %arg3: memref<256x128xf32, #tpu.memory_space<vmem>>) attributes {dimension_semantics = [#tpu.dimension_semantics<arbitrary>], iteration_bounds = array<i64: 4>, scalar_prefetch = 0 : i64, scratch_operands = 0 : i64, tpu.core_type = #tpu.core_type<tc>, window_params = [{transform_indices = @transform_0, window_bounds = array<i64: 1, 392, 128>}, {transform_indices = @transform_1, window_bounds = array<i64: 256, 128>}, {transform_indices = @transform_2, window_bounds = array<i64: 256, 128>}]} {
    %get3A = arith.constant 0 : index
    %get3A_0 = arith.constant 0 : index
    %get3A_1 = vector.load %arg2[%get3A, %get3A_0] : memref<256x128xf32, #tpu.memory_space<vmem>>, vector<256x128xf32>
    %broadcast_in_dim3A = arith.constant 0x7F800000 : f32
    %broadcast_in_dim3A_2 = vector.broadcast %broadcast_in_dim3A : f32 to vector<256x128xf32>
    %scan3A = arith.constant 0 : i32
    %scan3A_3 = arith.constant 98 : i32
    %scan3A_4 = arith.addi %scan3A, %scan3A_3 : i32
    %scan3A_5 = arith.constant 1 : i32
    %scan3A_6 = scf.for %scan3A_10 = %scan3A to %scan3A_4 step %scan3A_5 iter_args(%scan3A_11 = %broadcast_in_dim3A_2) -> (vector<256x128xf32>)  : i32 {
      %mul3A = arith.constant 4 : i32
      %mul3A_12 = arith.muli %scan3A_10, %mul3A : i32
      %add3A = arith.constant 0 : i32
      %add3A_13 = arith.addi %mul3A_12, %add3A : i32
      %get3A_14 = arith.constant 0 : index
      %get3A_15 = arith.index_cast %add3A_13 : i32 to index
      %get3A_16 = arith.constant 0 : index
      %get3A_17 = vector.load %arg1[%get3A_14, %get3A_15, %get3A_16] : memref<1x392x128xf32, #tpu.memory_space<vmem>>, vector<1x1x128xf32>
      %get3A_18 = vector.shape_cast %get3A_17 : vector<1x1x128xf32> to vector<1x128xf32>
      %ge3A = arith.constant 1.000000e-03 : f32
      %ge3A_19 = vector.broadcast %ge3A : f32 to vector<1x128xf32>
      %ge3A_20 = arith.cmpf oge, %get3A_18, %ge3A_19 : vector<1x128xf32>
      %jit3A = arith.constant 0x7F800000 : f32
      %broadcast_in_dim3A_21 = vector.broadcast %jit3A : f32 to vector<1x128xf32>
      %select_n3A = arith.select %ge3A_20, %get3A_18, %broadcast_in_dim3A_21 : vector<1x128xi1>, vector<1x128xf32>
      %sub3A = vector.broadcast %select_n3A : vector<1x128xf32> to vector<256x128xf32>
      %sub3A_22 = arith.subf %get3A_1, %sub3A : vector<256x128xf32>
      %mul3A_23 = arith.mulf %sub3A_22, %sub3A_22 : vector<256x128xf32>
      %min3A = arith.minimumf %scan3A_11, %mul3A_23 : vector<256x128xf32>
      %mul3A_24 = arith.constant 4 : i32
      %mul3A_25 = arith.muli %scan3A_10, %mul3A_24 : i32
      %add3A_26 = arith.constant 1 : i32
      %add3A_27 = arith.addi %mul3A_25, %add3A_26 : i32
      %get3A_28 = arith.constant 0 : index
      %get3A_29 = arith.index_cast %add3A_27 : i32 to index
      %get3A_30 = arith.constant 0 : index
      %get3A_31 = vector.load %arg1[%get3A_28, %get3A_29, %get3A_30] : memref<1x392x128xf32, #tpu.memory_space<vmem>>, vector<1x1x128xf32>
      %get3A_32 = vector.shape_cast %get3A_31 : vector<1x1x128xf32> to vector<1x128xf32>
      %ge3A_33 = arith.constant 1.000000e-03 : f32
      %ge3A_34 = vector.broadcast %ge3A_33 : f32 to vector<1x128xf32>
      %ge3A_35 = arith.cmpf oge, %get3A_32, %ge3A_34 : vector<1x128xf32>
      %jit3A_36 = arith.constant 0x7F800000 : f32
      %broadcast_in_dim3A_37 = vector.broadcast %jit3A_36 : f32 to vector<1x128xf32>
      %select_n3A_38 = arith.select %ge3A_35, %get3A_32, %broadcast_in_dim3A_37 : vector<1x128xi1>, vector<1x128xf32>
      %sub3A_39 = vector.broadcast %select_n3A_38 : vector<1x128xf32> to vector<256x128xf32>
      %sub3A_40 = arith.subf %get3A_1, %sub3A_39 : vector<256x128xf32>
      %mul3A_41 = arith.mulf %sub3A_40, %sub3A_40 : vector<256x128xf32>
      %min3A_42 = arith.minimumf %min3A, %mul3A_41 : vector<256x128xf32>
      %mul3A_43 = arith.constant 4 : i32
      %mul3A_44 = arith.muli %scan3A_10, %mul3A_43 : i32
      %add3A_45 = arith.constant 2 : i32
      %add3A_46 = arith.addi %mul3A_44, %add3A_45 : i32
      %get3A_47 = arith.constant 0 : index
      %get3A_48 = arith.index_cast %add3A_46 : i32 to index
      %get3A_49 = arith.constant 0 : index
      %get3A_50 = vector.load %arg1[%get3A_47, %get3A_48, %get3A_49] : memref<1x392x128xf32, #tpu.memory_space<vmem>>, vector<1x1x128xf32>
      %get3A_51 = vector.shape_cast %get3A_50 : vector<1x1x128xf32> to vector<1x128xf32>
      %ge3A_52 = arith.constant 1.000000e-03 : f32
      %ge3A_53 = vector.broadcast %ge3A_52 : f32 to vector<1x128xf32>
      %ge3A_54 = arith.cmpf oge, %get3A_51, %ge3A_53 : vector<1x128xf32>
      %jit3A_55 = arith.constant 0x7F800000 : f32
      %broadcast_in_dim3A_56 = vector.broadcast %jit3A_55 : f32 to vector<1x128xf32>
      %select_n3A_57 = arith.select %ge3A_54, %get3A_51, %broadcast_in_dim3A_56 : vector<1x128xi1>, vector<1x128xf32>
      %sub3A_58 = vector.broadcast %select_n3A_57 : vector<1x128xf32> to vector<256x128xf32>
      %sub3A_59 = arith.subf %get3A_1, %sub3A_58 : vector<256x128xf32>
      %mul3A_60 = arith.mulf %sub3A_59, %sub3A_59 : vector<256x128xf32>
      %min3A_61 = arith.minimumf %min3A_42, %mul3A_60 : vector<256x128xf32>
      %mul3A_62 = arith.constant 4 : i32
      %mul3A_63 = arith.muli %scan3A_10, %mul3A_62 : i32
      %add3A_64 = arith.constant 3 : i32
      %add3A_65 = arith.addi %mul3A_63, %add3A_64 : i32
      %get3A_66 = arith.constant 0 : index
      %get3A_67 = arith.index_cast %add3A_65 : i32 to index
      %get3A_68 = arith.constant 0 : index
      %get3A_69 = vector.load %arg1[%get3A_66, %get3A_67, %get3A_68] : memref<1x392x128xf32, #tpu.memory_space<vmem>>, vector<1x1x128xf32>
      %get3A_70 = vector.shape_cast %get3A_69 : vector<1x1x128xf32> to vector<1x128xf32>
      %ge3A_71 = arith.constant 1.000000e-03 : f32
      %ge3A_72 = vector.broadcast %ge3A_71 : f32 to vector<1x128xf32>
      %ge3A_73 = arith.cmpf oge, %get3A_70, %ge3A_72 : vector<1x128xf32>
      %jit3A_74 = arith.constant 0x7F800000 : f32
      %broadcast_in_dim3A_75 = vector.broadcast %jit3A_74 : f32 to vector<1x128xf32>
      %select_n3A_76 = arith.select %ge3A_73, %get3A_70, %broadcast_in_dim3A_75 : vector<1x128xi1>, vector<1x128xf32>
      %sub3A_77 = vector.broadcast %select_n3A_76 : vector<1x128xf32> to vector<256x128xf32>
      %sub3A_78 = arith.subf %get3A_1, %sub3A_77 : vector<256x128xf32>
      %mul3A_79 = arith.mulf %sub3A_78, %sub3A_78 : vector<256x128xf32>
      %min3A_80 = arith.minimumf %min3A_61, %mul3A_79 : vector<256x128xf32>
      scf.yield %min3A_80 : vector<256x128xf32>
    }
    %scan3A_7 = arith.constant 98 : i32
    %swap3A = arith.constant 0 : index
    %swap3A_8 = arith.constant 0 : index
    %swap3A_9 = vector.load %arg3[%swap3A, %swap3A_8] : memref<256x128xf32, #tpu.memory_space<vmem>>, vector<256x128xf32>
    tpu.vector_store %arg3[%swap3A, %swap3A_8], %scan3A_6 {strides = array<i32>} : memref<256x128xf32, #tpu.memory_space<vmem>>, vector<256x128xf32>,
    return
  }
  func.func @transform_0(%arg0: i32) -> (i32, i32, i32) {
    %c0_i32 = arith.constant 0 : i32
    %c0_i32_0 = arith.constant 0 : i32
    %c0_i32_1 = arith.constant 0 : i32
    return %arg0, %c0_i32, %c0_i32_0 : i32, i32, i32
  }
  func.func @transform_1(%arg0: i32) -> (i32, i32) {
    %c0_i32 = arith.constant 0 : i32
    %c0_i32_0 = arith.constant 0 : i32
    return %c0_i32, %arg0 : i32, i32
  }
  func.func @transform_2(%arg0: i32) -> (i32, i32) {
    %c0_i32 = arith.constant 0 : i32
    %c0_i32_0 = arith.constant 0 : i32
    return %c0_i32, %arg0 : i32, i32
  }
}

module attributes {stable_mosaic.version = 14 : i64} {
  func.func @_combine_body(%arg0: memref<8x128xf32, #tpu.memory_space<vmem>>, %arg1: memref<256x512xf32, #tpu.memory_space<vmem>>, %arg2: memref<1x1xf32, #tpu.memory_space<smem>>) attributes {dimension_semantics = [], scalar_prefetch = 0 : i64, scratch_operands = 0 : i64, tpu.core_type = #tpu.core_type<tc>} {
    %get3A = arith.constant 0 : index
    %get3A_0 = arith.constant 0 : index
    %get3A_1 = vector.load %arg0[%get3A, %get3A_0] : memref<8x128xf32, #tpu.memory_space<vmem>>, vector<8x128xf32>
    %reduce_sum3A = arith.constant dense<0.000000e+00> : vector<8xf32>
    %reduce_sum3A_2 = vector.multi_reduction <add>, %get3A_1, %reduce_sum3A [1] : vector<8x128xf32> to vector<8xf32>
    %broadcast_in_dim3A = vector.shape_cast %reduce_sum3A_2 : vector<8xf32> to vector<8x1xf32>
    %slice3A = vector.extract_strided_slice %broadcast_in_dim3A {offsets = [0, 0], sizes = [4, 1], strides = [1, 1]} : vector<8x1xf32> to vector<4x1xf32>
    %slice3A_3 = vector.extract_strided_slice %broadcast_in_dim3A {offsets = [4, 0], sizes = [4, 1], strides = [1, 1]} : vector<8x1xf32> to vector<4x1xf32>
    %max3A = arith.constant 1.000000e+00 : f32
    %max3A_4 = vector.broadcast %max3A : f32 to vector<4x1xf32>
    %max3A_5 = arith.maximumf %slice3A_3, %max3A_4 : vector<4x1xf32>
    %div3A = arith.divf %slice3A, %max3A_5 : vector<4x1xf32>
    %get3A_6 = arith.constant 0 : index
    %get3A_7 = arith.constant 0 : index
    %get3A_8 = vector.load %arg1[%get3A_6, %get3A_7] : memref<256x512xf32, #tpu.memory_space<vmem>>, vector<256x512xf32>
    %slice3A_9 = vector.extract_strided_slice %get3A_8 {offsets = [0, 0], sizes = [256, 128], strides = [1, 1]} : vector<256x512xf32> to vector<256x128xf32>
    %reduce_min3A = arith.constant dense<0x7F800000> : vector<256xf32>
    %reduce_min3A_10 = vector.multi_reduction <minimumf>, %slice3A_9, %reduce_min3A [1] : vector<256x128xf32> to vector<256xf32>
    %reduce_sum3A_11 = vector.shape_cast %reduce_min3A_10 : vector<256xf32> to vector<1x256xf32>
    %reduce_sum3A_12 = arith.constant dense<0.000000e+00> : vector<1xf32>
    %reduce_sum3A_13 = vector.multi_reduction <add>, %reduce_sum3A_11, %reduce_sum3A_12 [1] : vector<1x256xf32> to vector<1xf32>
    %reduce_sum3A_14 = vector.shape_cast %reduce_sum3A_13 : vector<1xf32> to vector<1x1xf32>
    %reduce_sum3A_15 = vector.extract %reduce_sum3A_14[0, 0] : f32 from vector<1x1xf32>
    %add3A = arith.constant 0.000000e+00 : f32
    %add3A_16 = arith.addf %add3A, %reduce_sum3A_15 : f32
    %slice3A_17 = vector.extract_strided_slice %get3A_8 {offsets = [0, 128], sizes = [256, 128], strides = [1, 1]} : vector<256x512xf32> to vector<256x128xf32>
    %reduce_min3A_18 = arith.constant dense<0x7F800000> : vector<256xf32>
    %reduce_min3A_19 = vector.multi_reduction <minimumf>, %slice3A_17, %reduce_min3A_18 [1] : vector<256x128xf32> to vector<256xf32>
    %reduce_sum3A_20 = vector.shape_cast %reduce_min3A_19 : vector<256xf32> to vector<1x256xf32>
    %reduce_sum3A_21 = arith.constant dense<0.000000e+00> : vector<1xf32>
    %reduce_sum3A_22 = vector.multi_reduction <add>, %reduce_sum3A_20, %reduce_sum3A_21 [1] : vector<1x256xf32> to vector<1xf32>
    %reduce_sum3A_23 = vector.shape_cast %reduce_sum3A_22 : vector<1xf32> to vector<1x1xf32>
    %reduce_sum3A_24 = vector.extract %reduce_sum3A_23[0, 0] : f32 from vector<1x1xf32>
    %add3A_25 = arith.addf %add3A_16, %reduce_sum3A_24 : f32
    %slice3A_26 = vector.extract_strided_slice %get3A_8 {offsets = [0, 256], sizes = [256, 128], strides = [1, 1]} : vector<256x512xf32> to vector<256x128xf32>
    %reduce_min3A_27 = arith.constant dense<0x7F800000> : vector<256xf32>
    %reduce_min3A_28 = vector.multi_reduction <minimumf>, %slice3A_26, %reduce_min3A_27 [1] : vector<256x128xf32> to vector<256xf32>
    %reduce_sum3A_29 = vector.shape_cast %reduce_min3A_28 : vector<256xf32> to vector<1x256xf32>
    %reduce_sum3A_30 = arith.constant dense<0.000000e+00> : vector<1xf32>
    %reduce_sum3A_31 = vector.multi_reduction <add>, %reduce_sum3A_29, %reduce_sum3A_30 [1] : vector<1x256xf32> to vector<1xf32>
    %reduce_sum3A_32 = vector.shape_cast %reduce_sum3A_31 : vector<1xf32> to vector<1x1xf32>
    %reduce_sum3A_33 = vector.extract %reduce_sum3A_32[0, 0] : f32 from vector<1x1xf32>
    %add3A_34 = arith.addf %add3A_25, %reduce_sum3A_33 : f32
    %slice3A_35 = vector.extract_strided_slice %get3A_8 {offsets = [0, 384], sizes = [256, 128], strides = [1, 1]} : vector<256x512xf32> to vector<256x128xf32>
    %reduce_min3A_36 = arith.constant dense<0x7F800000> : vector<256xf32>
    %reduce_min3A_37 = vector.multi_reduction <minimumf>, %slice3A_35, %reduce_min3A_36 [1] : vector<256x128xf32> to vector<256xf32>
    %reduce_sum3A_38 = vector.shape_cast %reduce_min3A_37 : vector<256xf32> to vector<1x256xf32>
    %reduce_sum3A_39 = arith.constant dense<0.000000e+00> : vector<1xf32>
    %reduce_sum3A_40 = vector.multi_reduction <add>, %reduce_sum3A_38, %reduce_sum3A_39 [1] : vector<1x256xf32> to vector<1xf32>
    %reduce_sum3A_41 = vector.shape_cast %reduce_sum3A_40 : vector<1xf32> to vector<1x1xf32>
    %reduce_sum3A_42 = vector.extract %reduce_sum3A_41[0, 0] : f32 from vector<1x1xf32>
    %add3A_43 = arith.addf %add3A_34, %reduce_sum3A_42 : f32
    %div3A_44 = arith.constant 2.560000e+02 : f32
    %div3A_45 = arith.divf %add3A_43, %div3A_44 : f32
    %reduce_sum3A_46 = vector.shape_cast %div3A : vector<4x1xf32> to vector<1x4x1xf32>
    %reduce_sum3A_47 = arith.constant dense<0.000000e+00> : vector<1xf32>
    %reduce_sum3A_48 = vector.multi_reduction <add>, %reduce_sum3A_46, %reduce_sum3A_47 [1, 2] : vector<1x4x1xf32> to vector<1xf32>
    %reduce_sum3A_49 = vector.shape_cast %reduce_sum3A_48 : vector<1xf32> to vector<1x1x1xf32>
    %reduce_sum3A_50 = vector.extract %reduce_sum3A_49[0, 0, 0] : f32 from vector<1x1x1xf32>
    %add3A_51 = arith.addf %div3A_45, %reduce_sum3A_50 : f32
    %div3A_52 = arith.constant 4.000000e+00 : f32
    %div3A_53 = arith.divf %add3A_51, %div3A_52 : f32
    %swap3A = arith.constant 0 : index
    %swap3A_54 = arith.constant 0 : index
    %swap3A_55 = memref.load %arg2[%swap3A, %swap3A_54] : memref<1x1xf32, #tpu.memory_space<smem>>
    memref.store %div3A_53, %arg2[%swap3A, %swap3A_54] : memref<1x1xf32, #tpu.memory_space<smem>>
    return
  }
}

</mosaic_0001>

<sc_bundles>
// kernel: kernel.6.cloned.1.call-start
scs
__scs_entry_jumppad:
0x0: {  	(pc) =	sbr.rel $0x88, $3  }
0x1: {  	(tag) =	ssettag $0x0;
	lr =	simm.s32 $0x1  }
0x2: {  	[smem:$0x3F9F] =	sst lr;
	_ =	strace $0xD0000000  }
0x3: {  	_ = 	snop  }
0x4: {  	_ = 	snop  }
0x5: {  	_ = 	snop  }
0x6: {  	_ = 	snop  }
0x7: {  	_ = 	snop  }
__scs_overlays_trampoline_lowered:
0x8: {  	[smem:$0x3FAE] =	sst s0  }
0x9: {  	[smem:$0x3FAF] =	sst s1  }
0xa: {  	[smem:$0x3FB0] =	sst s2  }
0xb: {  	[smem:$0x3FB1] =	sst s3  }
0xc: {  	[smem:$0x3FB2] =	sst s4  }
0xd: {  	[smem:$0x3FB3] =	sst s5  }
0xe: {  	[smem:$0x3FB4] =	sst s6  }
0xf: {  	[smem:$0x3FB5] =	sst s7  }
0x10: {  	[smem:$0x3FB6] =	sst s8  }
0x11: {  	[smem:$0x3FB7] =	sst s9;
	s0 =	simm.s32 @!p0 $0x0  }
0x12: {  	s1 =	sld [smem:$0x3F9D];
	s0 =	simm.s32 @p0 $0x1  }
0x13: {  	[smem:$0x3FB8] =	sst s0;
	s0 =	simm.s32 @!p1 $0x0  }
0x14: {  	s2 =	sld [smem:$0x3F9C];
	s0 =	simm.s32 @p1 $0x1  }
0x15: {  	[smem:$0x3FB9] =	sst s0;
	s0 =	simm.s32 @!p2 $0x0  }
0x16: {  	s3 =	sld [smem:$0x3FDB];
	s0 =	simm.s32 @p2 $0x1  }
0x17: {  	s4 =	simm.s32 $0x1BF5;
	[smem:$0x3FBB] =	sst s0  }
0x18: {  	s0 =	sld [smem:$0x3F9E];
	_ =	swait.ge [sflag:s4], $0x0  }
0x19: {  	s7 =	sld [smem:$0x3F9F]  }
0x1a: {  	s8 =	sadd.s32 $0xFFFFE003, lr  }
0x1b: {  	s9 =	sadd.s32 $0xFFFFFEF7, lr;
	s5 =	simm.s32 $0xFFFFFFFF;
	p2 =	slt.u32 s8, $0xFFFFF086  }
0x1c: {  	p1 =	slt.u32 s9, $0xF7A;
	s5 =	simm.s32 @!p2 $0x0  }
0x1d: {  	s5 =	simm.s32 @p1 $0x1;
	p0 =	seq.s32 s7, s2  }
0x1e: {  	s7 =	smul.u32 @!p0 $0xF7A, s2;
	p2 =	seq.s32 @!p0 s5, $0x0  }
0x1f: {  	s9 =	smul.u32 $0xF7A, s1;
	s8 =	simm.s32 @!p0 $0x1BF5;
	p2 =	por !p2, p0  }
0x20: {  	[sflag:s8] =	ssyncset.s32 @!p0 $0xFFFFF086;
	s6 =	sadd.s32 @!p0 s3, s7;
	s7 =	simm.s32 @!p0 $0x108  }
0x21: {  	s3 =	sadd.s32 s3, s9;
	s6 =	sadd.s32 @!p0 $0x88, s6;
	s7 =	simm.s32 @p2 $0x1082  }
0x22: {  	[simem:s7], [sflag:s8] =	dma.local @!p0 [hbm:s6], $0xF7A  }
0x23: {  	s9 =	sor.u32 $0xD0000000, s2;
	s6 =	simm.s32 $0x108;
	_ =	swait.ge @!p0 [sflag:s8], $0x0  }
0x24: {  	s3 =	sadd.s32 $0x88, s3;
	s6 =	simm.s32 @!p1 $0x1082;
	[sflag:s4] =	ssyncset.s32 $0xFFFFF086  }
0x25: {  	[simem:s6], [sflag:s4] =	dma.local [hbm:s3], $0xF7A  }
0x26: {  	[smem:$0x3F9F] =	sst s1;
	(tag) =	ssettag s2;
	_ =	strace s9  }
0x27: {  	s1 =	sld [smem:$0x3FAF]  }
0x28: {  	s2 =	sld [smem:$0x3FB0]  }
0x29: {  	s4 =	sld [smem:$0x3FB2]  }
0x2a: {  	p0 =	seq.s32 s5, $0x0;
	s5 =	sld [smem:$0x3FB3]  }
0x2b: {  	s6 =	sld [smem:$0x3FB4]  }
0x2c: {  	s7 =	sld [smem:$0x3FB5]  }
0x2d: {  	s3 =	simm.s32 $0x108;
	s8 =	sld [smem:$0x3FB6]  }
0x2e: {  	s3 =	simm.s32 @!p0 $0x1082;
	s9 =	sld [smem:$0x3FB7]  }
0x2f: {  	lr =	sadd.s32 s0, s3;
	s0 =	sld [smem:$0x3FAE]  }
0x30: {  	s3 =	sld [smem:$0x3FB1]  }
0x31: {  	[smem:$0x3FBA] =	sst s10  }
0x32: {  	s10 =	sld [smem:$0x3FB8];
	_ =	sdelay $0x3  }
0x33: {  	p0 =	seq.s32 s10, $0x1;
	s10 =	sld [smem:$0x3FBA];
	_ =	sdelay $0x3  }
0x34: {  	[smem:$0x3FBA] =	sst s10  }
0x35: {  	s10 =	sld [smem:$0x3FB9];
	_ =	sdelay $0x3  }
0x36: {  	p1 =	seq.s32 s10, $0x1;
	s10 =	sld [smem:$0x3FBA];
	_ =	sdelay $0x3  }
0x37: {  	[smem:$0x3FBA] =	sst s10  }
0x38: {  	s10 =	sld [smem:$0x3FBB]  }
0x39: {  	_ = 	snop;
	(pc) =	sbr.ind lr, $3  }
0x3a: {  	_ = 	snop  }
0x3b: {  	_ = 	snop  }
0x3c: {  	p2 =	seq.s32 s10, $0x1;
	s10 =	sld [smem:$0x3FBA]  }
0x3d: {  	_ =	shalt  }
0x3e: {  	_ =	shalt  }
0x3f: {  	_ =	shalt  }
0x40: {  	_ =	shalt  }
0x41: {  	_ =	shalt  }
0x42: {  	_ =	shalt  }
0x43: {  	_ =	shalt  }
0x44: {  	_ =	shalt  }
0x45: {  	_ =	shalt  }
0x46: {  	_ =	shalt  }
0x47: {  	_ =	shalt  }
0x48: {  	_ =	shalt  }
0x49: {  	_ =	shalt  }
0x4a: {  	_ =	shalt  }
0x4b: {  	_ =	shalt  }
0x4c: {  	_ =	shalt  }
0x4d: {  	_ =	shalt  }
0x4e: {  	_ =	shalt  }
0x4f: {  	_ =	shalt  }
0x50: {  	_ =	shalt  }
0x51: {  	_ =	shalt  }
0x52: {  	_ =	shalt  }
0x53: {  	_ =	shalt  }
0x54: {  	_ =	shalt  }
0x55: {  	_ =	shalt  }
0x56: {  	_ =	shalt  }
0x57: {  	_ =	shalt  }
0x58: {  	_ =	shalt  }
0x59: {  	_ =	shalt  }
0x5a: {  	_ =	shalt  }
0x5b: {  	_ =	shalt  }
0x5c: {  	_ =	shalt  }
0x5d: {  	_ =	shalt  }
0x5e: {  	_ =	shalt  }
0x5f: {  	_ =	shalt  }
0x60: {  	_ =	shalt  }
0x61: {  	_ =	shalt  }
0x62: {  	_ =	shalt  }
0x63: {  	_ =	shalt  }
0x64: {  	_ =	shalt  }
0x65: {  	_ =	shalt  }
0x66: {  	_ =	shalt  }
0x67: {  	_ =	shalt  }
0x68: {  	_ =	shalt  }
0x69: {  	_ =	shalt  }
0x6a: {  	_ =	shalt  }
0x6b: {  	_ =	shalt  }
0x6c: {  	_ =	shalt  }
0x6d: {  	_ =	shalt  }
0x6e: {  	_ =	shalt  }
0x6f: {  	_ =	shalt  }
0x70: {  	_ =	shalt  }
0x71: {  	_ =	shalt  }
0x72: {  	_ =	shalt  }
0x73: {  	_ =	shalt  }
0x74: {  	_ =	shalt  }
0x75: {  	_ =	shalt  }
0x76: {  	_ =	shalt  }
0x77: {  	_ =	shalt  }
0x78: {  	_ =	shalt  }
0x79: {  	_ =	shalt  }
0x7a: {  	_ =	shalt  }
0x7b: {  	_ =	shalt  }
0x7c: {  	_ =	shalt  }
0x7d: {  	_ =	shalt  }
0x7e: {  	_ =	shalt  }
0x7f: {  	_ =	shalt  }
0x80: {  	_ =	shalt  }
0x81: {  	_ =	shalt  }
0x82: {  	_ =	shalt  }
0x83: {  	_ =	shalt  }
0x84: {  	_ =	shalt  }
0x85: {  	_ =	shalt  }
0x86: {  	_ =	shalt  }
0x87: {  	_ =	shalt  }
.Lfunc_end0:
.L_simem_size_0:
called_computation_lowered:
.L_overlay_start_0:
0x88: {  	s2 =	sld [smem:$0x3FD9]  }
0x89: {  	s3 =	sld [smem:$0x3FFE];
	_ =	sdelay $0x1  }
0x8a: {  	s1 =	srdreg.scid  }
0x8b: {  	s0 =	sand.u32 $0x1, s1  }
0x8c: {  	s16 =	sshll.u32 s0, $0xA;
	s2 =	sadd.s32 s3, s2  }
0x8d: {  	s2 =	sadd.s32 s2, s16  }
0x8e: {  	[smem:$0x3FC6] =	sst s2  }
0x8f: {  	_ = 	snop  }
0x90: {  	(tm) =	ssettm $0x1  }
0x91: {  	s17 =	sld [smem:$0x3FFB];
	_ =	sdelay $0x3  }
0x92: {  	_ =	strace s17  }
0x93: {  	s2 =	sld [smem:$0x3FFC];
	_ =	sdelay $0x3  }
0x94: {  	_ =	strace s2  }
0x95: {  	s2 =	sld [smem:$0x3FFD];
	_ =	sdelay $0x3  }
0x96: {  	_ =	strace s2  }
0x97: {  	_ =	strace $0x8FFFFFFF  }
0x98: {  	s18 =	sld [smem:$0x3FDB];
	_ =	sdelay $0x1  }
0x99: {  	s19 =	simm.s32 $_scs_section_size  }
0x9a: {  	s4 =	simm.s32 $_size__tile_overlayer_lowered;
	s5 =	simm.s32 $_tile_overlayer_lowered  }
0x9b: {  	s22 =	simm.s32 $0x1BFF;
	s21 =	sshll.u32 s5, $0x1;
	s2 =	sadd.s32 s19, s18  }
0x9c: {  	s6 =	simm.s32 $0x0;
	s20 =	sshll.u32 s4, $0x1;
	s4 =	sadd.s32 s21, s2  }
0x9d: {  	[timem:s6], [sflag:s22] =	dma.local [hbm:s4], s20  }
0x9e: {  	_ =	swait.ge [sflag:s22], s20  }
0x9f: {  	s3 =	ssub.s32 $0x0, s20;
	[sflag:s22] =	ssyncset.done $0x0  }
0xa0: {  	[sflag:s22] =	ssyncadd.s32 s3;
	_ =	sdelay $0x1  }
0xa1: {  	s23 =	simm.s32 $0x1B8B  }
0xa2: {  	_ =	swait.ge [sflag:s23], $0x1  }
0xa3: {  	[sflag:s23] =	ssyncset.done $0x0  }
0xa4: {  	s25 =	simm.s32 $0x1B8E;
	s24 =	sld [smem:$0x3FFE];
	[sflag:s23] =	ssyncadd.s32 $0xFFFFFFFF  }
0xa5: {  	s26 =	simm.s32 $execute0_lowered;
	[smem:$0x3FD2] =	sst s25  }
0xa6: {  	s4 =	sshll.u32 s26, $0x1;
	_ =	strace $0x80000046;
	[dreg:$0x1] =	wrdreg $0xFFFFFFFF  }
0xa7: {  	s28 =	simm.s32 $_size_execute0_lowered;
	s2 =	sadd.s32 s2, s4;
	[dreg:$0x0] =	wrdreg $0x0  }
0xa8: {  	s4 =	sshll.u32 s28, $0x1;
	[dreg:$0x2] =	wrdreg s2  }
0xa9: {  	[dreg:$0x3] =	wrdreg s4  }
0xaa: {  	[dreg:$0x4] =	wrdreg $0xC0  }
0xab: {  	_ =	task [dreg:s6], $0x5FFFF  }
0xac: {  	[dreg:$0x1] =	wrdreg $0xFFFFFFFF  }
0xad: {  	[dreg:$0x0] =	wrdreg $0x60  }
0xae: {  	[dreg:$0x2] =	wrdreg s24  }
0xaf: {  	[dreg:$0x3] =	wrdreg $0x9  }
0xb0: {  	_ =	task.clear_ibuf [dreg:s6], $0x4FFFF;
	_ =	strace $0x90000046  }
0xb1: {  	s29 =	simm.s32 $0x9;
	_ =	strace $0x80000048  }
0xb2: {  	_ =	swait.ge [sflag:s29], $0x1  }
0xb3: {  	[sflag:s29] =	ssyncadd.s32 $0xFFFFFFFF  }
0xb4: {  	_ =	strace $0x90000048  }
0xb5: {  	_ =	sfence  }
0xb6: {  	s30 =	sld [smem:$0x0];
	_ =	sdelay $0x2  }
0xb7: {  	s31 =	sshll.u32 s1, $0xD;
	s1 =	sshrl.u32 s1, $0x2  }
0xb8: {  	s3 =	sand.u32 $0x4000, s31;
	s1 =	sadd.s32 s1, s30  }
0xb9: {  	s0 =	sor.u32 s3, s0;
	s1 =	sshll.u32 s1, $0x11  }
0xba: {  	s0 =	sor.u32 s1, s0  }
0xbb: {  	s0 =	sadd.s32 $0x8F2B, s0  }
0xbc: {  	[sflag:s0] =	ssyncadd.remote.s32 $0x1  }
0xbd: {  	_ =	sfence.sel $0xFFFF  }
0xbe: {  	[dreg:$0x0] =	wrdreg $0xFFFFFFFF;
	(pc) =	sbr.abs _section_cstart, $3  }
0xbf: {  	[dreg:$0x1] =	wrdreg $0xFFFFFFFF  }
0xc0: {  	_ =	task.clear_ibuf [dreg:s6], $0x2FFFF;
	_ =	strace $0x9FFFFFFF  }
0xc1: {  	(tm) =	ssettm $0x7FFFFFFF  }
tec
execute0_lowered:
.L_overlay_start_1:
0x0: {  	(tag) =	ssettag $0x1  }
0x1: {  	s1 =	srdreg.scid  }
0x2: {  	s0 =	stileid.u32;
	s3 =	rddreg [dreg:$0x0]  }
0x3: {  	s2 =	simm.s32 $0x0;
	s10 =	simm.s32 $0x1980;
	s11 =	simm.s32 $0x1990  }
0x4: {  	s12 =	simm.s32 $0x0;
	s4 =	sand.u32 $0x1, s1;
	s1 =	rddreg [dreg:$0x1]  }
0x5: {  	s5 =	sshll.u32 s0, $0x1;
	[smem:$0x7FF] =	sst s2;
	s7 =	sshll.u32 s0, $0x3  }
0x6: {  	s5 =	sor.u32 s4, s5;
	_ =	strace $0x80000047;
	s7 =	sand.u32 $0x60, s7  }
0x7: {  	s4 =	ssub.s32 $0x2, s4;
	s6 =	smul.u32 $0x310, s5;
	s5 =	sshll.u32 s5, $0x1  }
0x8: {  	s7 =	sadd.s32 s7, s3;
	s8 =	sshrl.u32 s4, $0x1;
	s9 =	sadd.s32 s5, s3  }
0x9: {  	s8 =	ssub.s32 s4, s8;
	s4 =	sadd.s32 $0x800, s7;
	s6 =	sadd.s32 s6, s3  }
0xa: {  	s5 =	sadd.s32 $0x6C00, s9;
	s7 =	smax.u32 s8, $0x1;
	s8 =	simm.s32 $0x1  }
0xb: {  	v1 =	vimm.s32 $0x80;
	v2 =	vimm.s32 $0x0;
	v3 =	vimm.s32 $0x40;
	s3 =	sadd.s32 $0xA00, s6;
	s6 =	sadd.s32 $0x6C40, s9;
	s9 =	simm.s32 $0x1880  }
.LBB2_1:
0xc: {  	[tilespmem:s2], [sflag:$0x1] =	stream.linear.gather [hbm4b:s3+s2], $0x1880, $0x38;
	[tilespmem:$0x1A00] =	vst v63  }
0xd: {  	_ =	swait.ge [sflag:s8], $0x1880  }
0xe: {  	[sflag:s8] =	ssyncset.done $0x0  }
0xf: {  	[sflag:s8] =	ssyncadd.s32 $0xFFFFE780  }
0x10: {  	[tilespmem:s9], [sflag:$0x1] =	stream.linear.gather [hbm4b:s4+s2], $0x100, $0x38;
	[tilespmem:$0x1A00] =	vst v63  }
0x11: {  	_ =	swait.ge [sflag:s8], $0x100  }
0x12: {  	[sflag:s8] =	ssyncset.done $0x0  }
0x13: {  	[sflag:s8] =	ssyncadd.s32 $0xFFFFFF00  }
0x14: {  	s13 =	simm.s32 $0x40;
	v4 =	vld.idx.msk [tilespmem:v1+s9+$0x0], $0xffff  }
0x15: {  	v55 =	vld [tilespmem:s13+$0x30]  }
0x16: {  	v56 =	vld [tilespmem:s13+$0x20]  }
0x17: {  	v5 =	vld [tilespmem:s13+$0x10]  }
0x18: {  	v59 =	vld [tilespmem:s13+$0x0]  }
0x19: {  	v58 =	vld [tilespmem:s13+$0xFFFFFFF0]  }
0x1a: {  	v60 =	vld [tilespmem:s13+$0xFFFFFFE0];
	vm0 =	vle.f32 v4, v55  }
0x1b: {  	v62 =	vld [tilespmem:s13+$0xFFFFFFD0];
	vm1 =	vle.f32 v4, v56;
	v13 =	vsel vm0, $0xC0, v3  }
0x1c: {  	v63 =	vld [tilespmem:s13+$0xFFFFFFC0];
	vm2 =	vle.f32 v4, v5;
	v14 =	vsel vm1, $0xC0, v3  }
0x1d: {  	vm3 =	vle.f32 v4, v59;
	v16 =	vsel vm2, $0xC0, v3  }
0x1e: {  	vm4 =	vle.f32 v4, v58;
	v17 =	vsel vm3, $0xC0, v3  }
0x1f: {  	vm5 =	vle.f32 v4, v60;
	v0 =	vsel vm4, $0xC0, v3  }
0x20: {  	vm6 =	vle.f32 v4, v62;
	v19 =	vsel vm5, $0xC0, v3;
	v20 =	vld.idx.msk [tilespmem:v13+s9+$0x0], $0xffff;
	[tilespmem:$0x1FFF0] =	vst v4  }
0x21: {  	vm7 =	vle.f32 v4, v63;
	v21 =	vsel vm0, $0x81, v2;
	v22 =	vsel vm6, $0xC0, v3;
	v23 =	vld.idx.msk [tilespmem:v14+s9+$0x0], $0xffff  }
0x22: {  	v24 =	vsel vm0, $0x100, v1;
	v25 =	vsel vm2, $0x81, v2;
	v26 =	vsel vm7, $0xC0, v3;
	v27 =	vld.idx.msk [tilespmem:v16+s9+$0x0], $0xffff  }
0x23: {  	v28 =	vsel vm1, $0x81, v2;
	v29 =	vsel vm1, $0x100, v1;
	v30 =	vsel vm2, $0x100, v1;
	v31 =	vld.idx.msk [tilespmem:v17+s9+$0x0], $0xffff  }
0x24: {  	v32 =	vsel vm3, $0x81, v2;
	v33 =	vsel vm3, $0x100, v1;
	v34 =	vsel vm5, $0x81, v2;
	v35 =	vld.idx.msk [tilespmem:v0+s9+$0x0], $0xffff  }
0x25: {  	v36 =	vsel vm4, $0x81, v2;
	v37 =	vsel vm4, $0x100, v1;
	v38 =	vsel vm6, $0x81, v2;
	v39 =	vld.idx.msk [tilespmem:v19+s9+$0x0], $0xffff  }
0x26: {  	v40 =	vsel vm5, $0x100, v1;
	v41 =	vsel vm7, $0x81, v2;
	v42 =	vsel vm6, $0x100, v1;
	v43 =	vld.idx.msk [tilespmem:v22+s9+$0x0], $0xffff  }
0x27: {  	v45 =	vsel vm7, $0x100, v1;
	v46 =	vor.u32 $0x1, v14;
	v47 =	vor.u32 $0x1, v13;
	v44 =	vld.idx.msk [tilespmem:v26+s9+$0x0], $0xffff  }
0x28: {  	v48 =	vor.u32 $0x1, v0;
	v49 =	vor.u32 $0x1, v17;
	v50 =	vor.u32 $0x1, v16  }
0x29: {  	v51 =	vor.u32 $0x1, v26;
	v52 =	vor.u32 $0x1, v22;
	v53 =	vor.u32 $0x1, v19  }
0x2a: {  	vm2 =	vle.f32 v20, v55;
	vm0 =	vle.f32 v27, v5;
	vm1 =	vle.f32 v23, v56  }
0x2b: {  	vm3 =	vle.f32 v39, v60;
	vm11 =	vle.f32 v35, v58;
	vm12 =	vle.f32 v31, v59  }
0x2c: {  	vm13 =	vle.f32 v44, v63;
	vm14 =	vle.f32 v43, v62;
	v20 =	vsel vm2, v47, v21  }
0x2d: {  	v13 =	vsel vm2, v24, v13;
	v21 =	vsel vm1, v46, v28;
	v23 =	vsel vm0, v50, v25  }
0x2e: {  	v14 =	vsel vm1, v29, v14;
	v24 =	vsel vm12, v49, v32;
	v17 =	vsel vm12, v33, v17  }
0x2f: {  	v16 =	vsel vm0, v30, v16;
	v25 =	vsel vm3, v53, v34;
	v27 =	vsel vm11, v48, v36  }
0x30: {  	v0 =	vsel vm11, v37, v0;
	v19 =	vsel vm3, v40, v19;
	v28 =	vsel vm14, v52, v38  }
0x31: {  	v29 =	vsel vm13, v51, v41;
	v22 =	vsel vm14, v42, v22;
	v26 =	vsel vm13, v45, v26  }
0x32: {  	v50 =	vadd.s32 $0xFFFFFFFF, v13;
	v30 =	vadd.s32 $0xFFFFFFFF, v16;
	v31 =	vadd.s32 $0xFFFFFFFF, v14  }
0x33: {  	v51 =	vadd.s32 $0xFFFFFFFF, v19;
	v52 =	vadd.s32 $0xFFFFFFFF, v0;
	v53 =	vadd.s32 $0xFFFFFFFF, v17  }
0x34: {  	v54 =	vadd.s32 $0xFFFFFFFF, v26;
	v57 =	vadd.s32 $0xFFFFFFFF, v22;
	v61 =	vor.u32 v50, v20  }
0x35: {  	v32 =	vxor.u32 v50, v20;
	v1 =	vor.u32 v31, v21;
	v31 =	vxor.u32 v31, v21  }
0x36: {  	v2 =	vor.u32 v53, v24;
	v3 =	vor.u32 v30, v23;
	v30 =	vxor.u32 v30, v23  }
0x37: {  	v4 =	vor.u32 v52, v27;
	v35 =	vxor.u32 v53, v24;
	v32 =	vshrl.u32 v32, $0x1  }
0x38: {  	v34 =	vxor.u32 v52, v27;
	v31 =	vshrl.u32 v31, $0x1;
	v32 =	vsub.s32 v61, v32  }
0x39: {  	v6 =	vor.u32 v51, v25;
	v30 =	vshrl.u32 v30, $0x1;
	v31 =	vsub.s32 v1, v31  }
0x3a: {  	v33 =	vxor.u32 v51, v25;
	v35 =	vshrl.u32 v35, $0x1;
	v30 =	vsub.s32 v3, v30  }
0x3b: {  	v7 =	vor.u32 v57, v28;
	v34 =	vshrl.u32 v34, $0x1;
	v35 =	vsub.s32 v2, v35  }
0x3c: {  	v37 =	vxor.u32 v57, v28;
	v33 =	vshrl.u32 v33, $0x1;
	v34 =	vsub.s32 v4, v34  }
0x3d: {  	v8 =	vxor.u32 v54, v29;
	v37 =	vshrl.u32 v37, $0x1;
	v33 =	vsub.s32 v6, v33;
	v38 =	vld.idx.msk [tilespmem:v32+s9+$0x0], $0xffff  }
0x3e: {  	v36 =	vor.u32 v54, v29;
	v40 =	vshrl.u32 v8, $0x1;
	v37 =	vsub.s32 v7, v37;
	v39 =	vld.idx.msk [tilespmem:v31+s9+$0x0], $0xffff  }
0x3f: {  	v36 =	vsub.s32 v36, v40;
	v9 =	vld.idx.msk [tilespmem:v30+s9+$0x0], $0xffff  }
0x40: {  	v10 =	vld.idx.msk [tilespmem:v35+s9+$0x0], $0xffff  }
0x41: {  	v42 =	vld.idx.msk [tilespmem:v34+s9+$0x0], $0xffff  }
0x42: {  	v11 =	vld.idx.msk [tilespmem:v33+s9+$0x0], $0xffff  }
0x43: {  	v12 =	vld.idx.msk [tilespmem:v37+s9+$0x0], $0xffff  }
0x44: {  	v2 =	vor.u32 $0x1, v32;
	v61 =	vor.u32 $0x1, v30;
	v1 =	vor.u32 $0x1, v31;
	v57 =	vld.idx.msk [tilespmem:v36+s9+$0x0], $0xffff  }
0x45: {  	v3 =	vor.u32 $0x1, v33;
	v4 =	vor.u32 $0x1, v34;
	v6 =	vor.u32 $0x1, v35  }
0x46: {  	v7 =	vor.u32 $0x1, v36;
	v8 =	vor.u32 $0x1, v37;
	vm0 =	vle.f32 v38, v55  }
0x47: {  	vm1 =	vle.f32 v10, v59;
	vm2 =	vle.f32 v9, v5;
	vm3 =	vle.f32 v39, v56  }
0x48: {  	vm15 =	vle.f32 v12, v62;
	vm9 =	vle.f32 v11, v60;
	vm10 =	vle.f32 v42, v58  }
0x49: {  	vm11 =	vle.f32 v57, v63;
	v39 =	vsel vm0, v2, v20;
	v13 =	vsel vm0, v13, v32  }
0x4a: {  	v23 =	vsel vm2, v61, v23;
	v21 =	vsel vm3, v1, v21;
	v14 =	vsel vm3, v14, v31  }
0x4b: {  	v24 =	vsel vm1, v6, v24;
	v32 =	vsel vm1, v17, v35;
	v35 =	vsel vm2, v16, v30  }
0x4c: {  	v40 =	vsel vm9, v3, v25;
	v25 =	vsel vm10, v4, v27;
	v0 =	vsel vm10, v0, v34  }
0x4d: {  	v17 =	vsel vm15, v8, v28;
	v16 =	vsel vm15, v22, v37;
	v41 =	vsel vm9, v19, v33  }
0x4e: {  	v20 =	vsel vm11, v7, v29;
	v19 =	vsel vm11, v26, v36;
	v22 =	vand.u32 v13, v39  }
0x4f: {  	v28 =	vxor.u32 v13, v39;
	v26 =	vand.u32 v14, v21;
	v27 =	vxor.u32 v14, v21  }
0x50: {  	v29 =	vand.u32 v32, v24;
	v30 =	vand.u32 v35, v23;
	v31 =	vxor.u32 v35, v23  }
0x51: {  	v9 =	vand.u32 v0, v25;
	v10 =	vxor.u32 v32, v24;
	v28 =	vshrl.u32 v28, $0x1  }
0x52: {  	v11 =	vxor.u32 v0, v25;
	v27 =	vshrl.u32 v27, $0x1;
	v22 =	vadd.s32 v28, v22  }
0x53: {  	v28 =	vand.u32 v41, v40;
	v31 =	vshrl.u32 v31, $0x1;
	v12 =	vadd.s32 v27, v26  }
0x54: {  	v26 =	vxor.u32 v41, v40;
	v27 =	vshrl.u32 v10, $0x1;
	v1 =	vadd.s32 v31, v30  }
0x55: {  	v30 =	vand.u32 v16, v17;
	v31 =	vshrl.u32 v11, $0x1;
	v29 =	vadd.s32 v27, v29  }
0x56: {  	v27 =	vxor.u32 v16, v17;
	v26 =	vshrl.u32 v26, $0x1;
	v2 =	vadd.s32 v31, v9  }
0x57: {  	v31 =	vxor.u32 v19, v20;
	v27 =	vshrl.u32 v27, $0x1;
	v3 =	vadd.s32 v26, v28;
	v26 =	vld.idx.msk [tilespmem:v22+s9+$0x0], $0xffff  }
0x58: {  	v28 =	vand.u32 v19, v20;
	v31 =	vshrl.u32 v31, $0x1;
	v36 =	vadd.s32 v27, v30;
	v27 =	vld.idx.msk [tilespmem:v12+s9+$0x0], $0xffff  }
0x59: {  	v33 =	vadd.s32 v31, v28;
	v28 =	vld.idx.msk [tilespmem:v1+s9+$0x0], $0xffff  }
0x5a: {  	v30 =	vld.idx.msk [tilespmem:v29+s9+$0x0], $0xffff  }
0x5b: {  	v42 =	vimm.f32 $0.0e+00;
	v10 =	vadd.s32 $0x1, v22;
	v31 =	vld.idx.msk [tilespmem:v2+s9+$0x0], $0xffff  }
0x5c: {  	v8 =	vadd.s32 $0x1, v1;
	v9 =	vadd.s32 $0x1, v12;
	v57 =	vadd.s32 $0x1, v2  }
0x5d: {  	v61 =	vadd.s32 $0x1, v29;
	v11 =	vadd.s32 $0x1, v3;
	v37 =	vadd.s32 $0x1, v33;
	v4 =	vld.idx.msk [tilespmem:v3+s9+$0x0], $0xffff  }
0x5e: {  	v38 =	vadd.s32 $0x1, v36;
	vm2 =	vle.f32 v26, v55;
	vm12 =	vle.f32 v28, v5  }
0x5f: {  	v6 =	vld.idx.msk [tilespmem:v36+s9+$0x0], $0xffff;
	vm13 =	vle.f32 v27, v56;
	v26 =	vsel vm2, v10, v39;
	v27 =	vsel vm2, v13, v22  }
0x60: {  	v7 =	vld.idx.msk [tilespmem:v33+s9+$0x0], $0xffff;
	vm3 =	vle.f32 v30, v59;
	vm15 =	vle.f32 v31, v58;
	v23 =	vsel vm12, v8, v23  }
0x61: {  	v30 =	vsel vm13, v9, v21;
	v31 =	vsel vm13, v14, v12;
	v13 =	vadd.s32 v27, v26  }
0x62: {  	vm14 =	vle.f32 v4, v60;
	v21 =	vsel vm3, v61, v24;
	v22 =	vsel vm3, v32, v29  }
0x63: {  	v32 =	vsel vm12, v35, v1;
	v24 =	vsel vm15, v57, v25;
	v25 =	vsel vm15, v0, v2  }
0x64: {  	v14 =	vadd.s32 v31, v30;
	v34 =	vshrl.u32 v13, $0x1;
	vm1 =	vle.f32 v6, v62  }
0x65: {  	vm0 =	vle.f32 v7, v63;
	v28 =	vsel vm14, v11, v40;
	v29 =	vsel vm14, v41, v3  }
0x66: {  	s14 =	simm.s32 $0xC0;
	s13 =	simm.s32 $0x0;
	v54 =	vmovc v5;
	v39 =	vadd.s32 v32, v23;
	v35 =	vshrl.u32 v14, $0x1;
	v40 =	vimm.f32 $0.0e+00  }
.LBB2_2:
0x67: {  	v38 =	vsel vm1, v38, v17;
	v49 =	vadd.s32 v22, v21;
	v39 =	vshrl.u32 v39, $0x1  }
0x68: {  	v36 =	vsel vm1, v16, v36;
	v41 =	vadd.s32 v25, v24;
	v20 =	vsel vm0, v37, v20  }
0x69: {  	v50 =	vadd.s32 v29, v28;
	v19 =	vsel vm0, v19, v33;
	vm0 =	vge.f32 v56, $1.000000050e-03  }
0x6a: {  	v0 =	vimm.s32 $0x0;
	vm11 =	vge.f32 v55, $1.000000050e-03;
	v52 =	vimm.s32 $0x0  }
0x6b: {  	v53 =	vimm.s32 $0x0;
	vm9 =	vge.f32 v59, $1.000000050e-03;
	v57 =	vimm.s32 $0x0  }
0x6c: {  	vm10 =	vge.f32 v54, $1.000000050e-03;
	v61 =	vimm.s32 $0x0;
	v5 =	vimm.s32 $0x0  }
0x6d: {  	v6 =	vimm.s32 $0x0;
	vm8 =	vge.f32 v60, $1.000000050e-03;
	v7 =	vimm.s32 $0x0  }
0x6e: {  	[tilespmem:$0x1FE60] =	vst v40;
	v8 =	vimm.s32 $0x0;
	v9 =	vimm.s32 $0x0;
	v40 =	vshrl.u32 v49, $0x1  }
0x6f: {  	v10 =	vimm.s32 $0x0;
	v41 =	vshrl.u32 v41, $0x1;
	v51 =	vadd.s32 v36, v38  }
0x70: {  	[tilespmem:$0x1FE50] =	vst v42;
	v42 =	vld.idx.msk [tilespmem:v34+s9+$0x0], $0xffff;
	v37 =	vshrl.u32 v50, $0x1;
	v43 =	vadd.s32 v19, v20;
	v0 =	vsel vm0, $0xFFFFFFFF, v0  }
0x71: {  	v44 =	vld.idx.msk [tilespmem:v35+s9+$0x0], $0xffff;
	[tilespmem:$0x1FCB0] =	vst v55;
	vm0 =	vge.f32 v58, $1.000000050e-03;
	v33 =	vshrl.u32 v51, $0x1;
	v43 =	vshrl.u32 v43, $0x1  }
0x72: {  	[tilespmem:$0x1FF20] =	vst v0;
	v0 =	vsel vm11, $0xFFFFFFFF, v52;
	v51 =	vadd.s32 $0x1, v39;
	v52 =	vadd.s32 $0x1, v35;
	v45 =	vld.idx.msk [tilespmem:v39+s9+$0x0], $0xffff  }
0x73: {  	v4 =	vmovc v54;
	v11 =	vmovc v55;
	v54 =	vadd.s32 $0x1, v37;
	v55 =	vadd.s32 $0x1, v41;
	[tilespmem:$0x1FF90] =	vst v0;
	v0 =	vsel vm0, $0xFFFFFFFF, v53;
	v46 =	vld.idx.msk [tilespmem:v40+s9+$0x0], $0xffff  }
0x74: {  	v13 =	vadd.s32 $0x1, v40;
	vm0 =	vge.f32 v63, $1.000000050e-03;
	[tilespmem:$0x1FEC0] =	vst v0;
	v0 =	vsel vm9, $0xFFFFFFFF, v57;
	v47 =	vld.idx.msk [tilespmem:v41+s9+$0x0], $0xffff  }
0x75: {  	v12 =	vmovc v56;
	v53 =	vadd.s32 $0x1, v34;
	v57 =	vadd.s32 $0x1, v43;
	[tilespmem:$0x1FEE0] =	vst v0;
	v0 =	vsel vm10, $0xFFFFFFFF, v61;
	v48 =	vld.idx.msk [tilespmem:v37+s9+$0x0], $0xffff  }
0x76: {  	v61 =	vadd.s32 $0x1, v33;
	vm2 =	vle.f32 v42, v11;
	vm5 =	vle.f32 v44, v12;
	v49 =	vld.idx.msk [tilespmem:v33+s9+$0x0], $0xffff  }
0x77: {  	[tilespmem:$0x1FF00] =	vst v0;
	v0 =	vsel vm0, $0xFFFFFFFF, v5;
	vm0 =	vge.f32 v62, $1.000000050e-03;
	v42 =	vsel vm2, v53, v26  }
0x78: {  	v3 =	vld [tilespmem:s14+$0x30];
	v34 =	vsel vm2, v27, v34;
	v35 =	vsel vm5, v31, v35;
	[tilespmem:$0x1FE40] =	vst v0;
	v0 =	vsel vm0, $0xFFFFFFFF, v6  }
0x79: {  	v2 =	vld [tilespmem:s14+$0x20];
	v14 =	vmovc v58;
	[tilespmem:$0x1FE80] =	vst v0;
	v0 =	vsel vm8, $0xFFFFFFFF, v7;
	vm4 =	vle.f32 v45, v4;
	v45 =	vsel vm5, v52, v30  }
0x7a: {  	v1 =	vld [tilespmem:s14+$0x10];
	vm3 =	vle.f32 v46, v59;
	vm6 =	vle.f32 v48, v60;
	vm7 =	vle.f32 v47, v14  }
0x7b: {  	[tilespmem:$0x1FEA0] =	vst v0;
	v0 =	vld [tilespmem:$0x1FFF0];
	v23 =	vsel vm4, v51, v23;
	v32 =	vsel vm4, v32, v39;
	vm1 =	vle.f32 v49, v62  }
0x7c: {  	v11 =	vld [tilespmem:s14+$0x0];
	v46 =	vsel vm3, v13, v21;
	v47 =	vsel vm3, v22, v40;
	v48 =	vsel vm7, v55, v24  }
0x7d: {  	v44 =	vmovc v12;
	v12 =	vld [tilespmem:s14+$0xFFFFFFF0];
	v41 =	vsel vm7, v25, v41;
	v21 =	vadd.s32 v34, v42;
	v49 =	vsel vm6, v54, v28  }
0x7e: {  	[tilespmem:$0x1FCD0] =	vst v60;
	v5 =	vld [tilespmem:s14+$0xFFFFFFD0];
	v22 =	vadd.s32 v35, v45;
	v51 =	vsel vm6, v29, v37;
	v40 =	vimm.s32 $0x0  }
0x7f: {  	[tilespmem:$0x1FCE0] =	vst v63;
	v50 =	vld.idx.msk [tilespmem:v43+s9+$0x0], $0xffff;
	v52 =	vshrl.u32 v22, $0x1;
	v38 =	vsel vm1, v61, v38;
	v22 =	vadd.s32 v47, v46  }
0x80: {  	[tilespmem:$0x1FD00] =	vst v3;
	v13 =	vld [tilespmem:s14+$0xFFFFFFE0];
	v33 =	vsel vm1, v36, v33;
	v36 =	vimm.s32 $0x80;
	vm0 =	vle.f32 v0, v1  }
0x81: {  	[tilespmem:$0x1FCF0] =	vst v2;
	v54 =	vshrl.u32 v22, $0x1;
	v6 =	vadd.s32 v33, v38;
	vm13 =	vle.f32 v0, v11  }
0x82: {  	[tilespmem:$0x1FDF0] =	vst v1;
	vm15 =	vle.f32 v0, v12;
	v1 =	vsel vm0, $0xFFFFFFFF, v8;
	vm0 =	vle.f32 v0, v2  }
0x83: {  	vm14 =	vle.f32 v0, v5;
	[tilespmem:$0x1FC90] =	vst v1;
	v1 =	vsel vm0, $0xFFFFFFFF, v9;
	vm0 =	vle.f32 v0, v3  }
0x84: {  	[tilespmem:$0x1FCA0] =	vst v1;
	v1 =	vsel vm0, $0xFFFFFFFF, v10;
	vm0 =	vle.f32 v50, v63;
	v50 =	vshrl.u32 v21, $0x1  }
0x85: {  	v7 =	vld [tilespmem:$0x1FF20];
	[tilespmem:$0x1FD10] =	vst v11;
	v21 =	vadd.s32 v32, v23;
	v10 =	vmovc v60;
	v60 =	vshrl.u32 v6, $0x1;
	vm12 =	vle.f32 v0, v13  }
0x86: {  	[tilespmem:$0x1FE00] =	vst v12;
	v9 =	vmovc v14;
	v14 =	vld [tilespmem:s14+$0xFFFFFFC0];
	v53 =	vshrl.u32 v21, $0x1;
	v21 =	vadd.s32 v41, v48;
	v55 =	vsel vm0, v57, v20  }
0x87: {  	[tilespmem:$0x1FE10] =	vst v5;
	v12 =	vld [tilespmem:$0x1FEC0];
	v20 =	vadd.s32 v51, v49;
	v57 =	vsel vm0, v19, v43;
	v43 =	vimm.f32 $0.0e+00  }
0x88: {  	v8 =	vld [tilespmem:$0x1FE80];
	[tilespmem:$0x1FE20] =	vst v13;
	v15 =	vadd.s32 $0x1, v50;
	v56 =	vshrl.u32 v21, $0x1;
	v58 =	vshrl.u32 v20, $0x1  }
0x89: {  	v16 =	vmovc v4;
	[tilespmem:$0x1FC80] =	vst v1;
	v61 =	vld.idx.msk [tilespmem:v52+s9+$0x0], $0xffff;
	v20 =	vadd.s32 v57, v55;
	v4 =	vsel vm11, $0x3F800000, v43;
	v5 =	vsel vm9, $0x3F800000, v43  }
0x8a: {  	v39 =	vmovc v62;
	v6 =	vsel vm10, $0x3F800000, v43;
	v11 =	vsel vm8, $0x3F800000, v43;
	v13 =	vld [tilespmem:$0x1FC80];
	v62 =	vshrl.u32 v20, $0x1;
	[tilespmem:$0x1FFC0] =	vst v4  }
0x8b: {  	[tilespmem:$0x1FEF0] =	vst v5;
	v18 =	vadd.s32 $0x1, v58;
	v5 =	vadd.s32 $0x1, v56;
	vm0 =	vle.f32 v0, v14  }
0x8c: {  	v37 =	vld [tilespmem:$0x1FE40];
	[tilespmem:$0x1FF10] =	vst v6;
	v6 =	vadd.s32 $0x1, v54;
	v1 =	vsel vm0, $0xFFFFFFFF, v40;
	vm0 =	vnez.u8 v7  }
0x8d: {  	[tilespmem:$0x1FE30] =	vst v14;
	v0 =	vld.idx.msk [tilespmem:v54+s9+$0x0], $0xffff;
	v7 =	vadd.s32 $0x1, v62;
	v2 =	vsel vm0, $0x3F800000, v43;
	vm0 =	vnez.u8 v8  }
0x8e: {  	v40 =	vld [tilespmem:$0x1FC90];
	vm4 =	vle.f32 v61, v44;
	[tilespmem:$0x1FF30] =	vst v2;
	v2 =	vsel vm0, $0x3F800000, v43;
	vm0 =	vnez.u8 v12  }
0x8f: {  	v19 =	vmovc v63;
	v63 =	vld.idx.msk [tilespmem:v53+s9+$0x0], $0xffff;
	[tilespmem:$0x1FCC0] =	vst v1;
	v12 =	vimm.s32 $0x0;
	vm8 =	vnez.u8 v13;
	v13 =	vadd.s32 $0x1, v53  }
0x90: {  	v1 =	vld.idx.msk [tilespmem:v56+s9+$0x0], $0xffff;
	v21 =	vsel vm4, v35, v52;
	v35 =	vsel vm14, $0x100, v36;
	[tilespmem:$0x1FE90] =	vst v2;
	v4 =	vsel vm0, $0x3F800000, v43  }
0x91: {  	v17 =	vmovc v59;
	v14 =	vsel vm8, $0x100, v36;
	vm0 =	vnez.u8 v37;
	[tilespmem:$0x1FED0] =	vst v4;
	v4 =	vsel vm8, $0x81, v12  }
0x92: {  	v2 =	vld.idx.msk [tilespmem:v58+s9+$0x0], $0xffff;
	[tilespmem:$0x1FD30] =	vst v14;
	v3 =	vsel vm0, $0x3F800000, v43;
	v14 =	vadd.s32 $0x1, v52;
	vm2 =	vle.f32 v0, v17  }
0x93: {  	v43 =	vld [tilespmem:$0x1FCA0];
	v52 =	vsel vm13, $0x100, v36;
	vm10 =	vnez.u8 v40;
	v24 =	vsel vm2, v6, v46  }
0x94: {  	v26 =	vsel vm2, v47, v54;
	v6 =	vsel vm15, $0x100, v36;
	vm3 =	vle.f32 v63, v16  }
0x95: {  	[tilespmem:$0x1FD20] =	vst v4;
	v4 =	vsel vm10, $0x81, v12;
	vm11 =	vle.f32 v1, v9;
	v22 =	vsel vm3, v13, v23  }
0x96: {  	[tilespmem:$0x1FE70] =	vst v3;
	v23 =	vsel vm4, v14, v45;
	v25 =	vsel vm3, v32, v53;
	v13 =	vadd.s32 v26, v24  }
0x97: {  	v3 =	vld.idx.msk [tilespmem:v60+s9+$0x0], $0xffff;
	vm6 =	vle.f32 v2, v10;
	v28 =	vsel vm11, v5, v48;
	v27 =	vsel vm11, v41, v56  }
0x98: {  	[tilespmem:$0x1FEB0] =	vst v11;
	v59 =	vld.idx.msk [tilespmem:v50+s9+$0x0], $0xffff;
	v10 =	vadd.s32 v21, v23;
	v11 =	vadd.s32 v25, v22;
	vm9 =	vnez.u8 v43  }
0x99: {  	[tilespmem:$0x1FD50] =	vst v4;
	v56 =	vsel vm13, $0x81, v12;
	v5 =	vsel vm15, $0x81, v12;
	v43 =	vld [tilespmem:$0x1FCB0];
	v4 =	vsel vm9, $0x81, v12  }
0x9a: {  	v18 =	vsel vm6, v18, v49;
	v14 =	vadd.s32 v27, v28;
	v49 =	vsel vm10, $0x100, v36;
	[tilespmem:$0x1FD40] =	vst v4;
	v4 =	vld.idx.msk [tilespmem:v62+s9+$0x0], $0xffff  }
0x9b: {  	v8 =	vsel vm9, $0x100, v36;
	v61 =	vshrl.u32 v14, $0x1;
	v14 =	vimm.s32 $0x40  }
0x9c: {  	v37 =	vmovc v16;
	vm5 =	vle.f32 v3, v39;
	[tilespmem:$0x1FD60] =	vst v8;
	v8 =	vadd.s32 $0x1, v60;
	v16 =	vsel vm8, $0xC0, v14  }
0x9d: {  	[tilespmem:$0x1FD70] =	vst v56;
	v56 =	vsel vm9, $0xC0, v14;
	v29 =	vsel vm5, v8, v38;
	v38 =	vshrl.u32 v11, $0x1  }
0x9e: {  	v53 =	vsel vm15, $0xC0, v14;
	vm1 =	vle.f32 v59, v43;
	v59 =	vsel vm5, v33, v60  }
0x9f: {  	v60 =	vshrl.u32 v13, $0x1;
	v20 =	vsel vm1, v34, v50;
	v34 =	vld [tilespmem:$0x1FCC0];
	vm0 =	vle.f32 v4, v19  }
0xa0: {  	v31 =	vmovc v9;
	v33 =	vld [tilespmem:$0x1FCD0];
	v19 =	vsel vm1, v15, v42;
	v42 =	vsel vm6, v51, v58;
	v58 =	vshrl.u32 v10, $0x1  }
0xa1: {  	[tilespmem:$0x1FF70] =	vst v35;
	v54 =	vsel vm13, $0xC0, v14;
	v46 =	vadd.s32 v59, v29;
	v32 =	vld.idx.msk [tilespmem:v16+s9+$0x0], $0xffff;
	v9 =	vadd.s32 v20, v19  }
0xa2: {  	[tilespmem:$0x1FDB0] =	vst v6;
	v10 =	vsel vm12, $0x100, v36;
	v45 =	vadd.s32 v42, v18;
	v13 =	vld.idx.msk [tilespmem:v38+s9+$0x0], $0xffff;
	v41 =	vshrl.u32 v9, $0x1  }
0xa3: {  	v30 =	vsel vm0, v7, v55;
	v57 =	vsel vm0, v57, v62;
	[tilespmem:$0x1FDC0] =	vst v10;
	v10 =	vld.idx.msk [tilespmem:v61+s9+$0x0], $0xffff;
	v62 =	vshrl.u32 v45, $0x1  }
0xa4: {  	[tilespmem:$0x1FDA0] =	vst v5;
	v50 =	vadd.s32 v57, v30;
	v9 =	vshrl.u32 v46, $0x1;
	v8 =	vld.idx.msk [tilespmem:v60+s9+$0x0], $0xffff;
	vm8 =	vnez.u8 v34  }
0xa5: {  	[tilespmem:$0x1FD80] =	vst v49;
	v35 =	vsel vm14, $0xC0, v14;
	v11 =	vshrl.u32 v50, $0x1;
	v15 =	vld.idx.msk [tilespmem:v58+s9+$0x0], $0xffff;
	v49 =	vsel vm8, $0x100, v36  }
0xa6: {  	v3 =	vadd.s32 $0x1, v60;
	v4 =	vsel vm12, $0x81, v12;
	v51 =	vsel vm12, $0xC0, v14;
	[tilespmem:$0x1FFA0] =	vst v49;
	v49 =	vld [tilespmem:$0x1FCF0]  }
0xa7: {  	[tilespmem:$0x1FD90] =	vst v4;
	v7 =	vsel vm14, $0x81, v12;
	v55 =	vsel vm10, $0xC0, v14;
	v4 =	vadd.s32 $0x1, v38;
	v47 =	vld.idx.msk [tilespmem:v41+s9+$0x0], $0xffff  }
0xa8: {  	v5 =	vadd.s32 $0x1, v58;
	[tilespmem:$0x1FDE0] =	vst v7;
	v7 =	vadd.s32 $0x1, v61;
	v0 =	vadd.s32 $0x1, v41;
	v6 =	vld.idx.msk [tilespmem:v62+s9+$0x0], $0xffff  }
0xa9: {  	v40 =	vmovc v17;
	v46 =	vmovc v43;
	v17 =	vadd.s32 $0x1, v11;
	v1 =	vsel vm8, $0x81, v12;
	v34 =	vsel vm8, $0xC0, v14;
	v2 =	vld.idx.msk [tilespmem:v9+s9+$0x0], $0xffff  }
0xaa: {  	v45 =	vmovc v44;
	v12 =	vadd.s32 $0x1, v62;
	v14 =	vadd.s32 $0x1, v9;
	[tilespmem:$0x1FF40] =	vst v1;
	vm12 =	vle.f32 v13, v37;
	v1 =	vld.idx.msk [tilespmem:v11+s9+$0x0], $0xffff  }
0xab: {  	v36 =	vor.u32 $0x1, v54;
	vm15 =	vle.f32 v10, v31;
	vm3 =	vle.f32 v8, v40;
	v8 =	vmovc v37;
	v37 =	vld.idx.msk [tilespmem:v56+s9+$0x0], $0xffff  }
0xac: {  	v7 =	vsel vm15, v7, v28;
	v3 =	vsel vm3, v3, v24;
	vm13 =	vle.f32 v15, v44;
	v15 =	vld.idx.msk [tilespmem:v55+s9+$0x0], $0xffff  }
0xad: {  	v44 =	vsel vm12, v4, v22;
	v4 =	vsel vm12, v25, v38;
	v22 =	vld.idx.msk [tilespmem:v53+s9+$0x0], $0xffff;
	v5 =	vsel vm13, v5, v23  }
0xae: {  	v25 =	vld.idx.msk [tilespmem:v51+s9+$0x0], $0xffff;
	v24 =	vadd.s32 v4, v44;
	vm2 =	vle.f32 v47, v43;
	vm1 =	vle.f32 v2, v39  }
0xaf: {  	vm14 =	vle.f32 v6, v33;
	v47 =	vmovc v31;
	v43 =	vld [tilespmem:$0x1FCE0];
	v6 =	vsel vm13, v21, v58;
	v31 =	vsel vm3, v26, v60  }
0xb0: {  	v48 =	vmovc v40;
	v13 =	vmovc v39;
	v24 =	vshrl.u32 v24, $0x1;
	v60 =	vor.u32 $0x1, v56;
	v39 =	vld [tilespmem:$0x1FE20];
	v10 =	vsel vm2, v0, v19  }
0xb1: {  	v40 =	vsel vm2, v20, v41;
	v12 =	vsel vm14, v12, v18;
	v14 =	vsel vm1, v14, v29;
	v29 =	vld.idx.msk [tilespmem:v34+s9+$0x0], $0xffff  }
0xb2: {  	v18 =	vadd.s32 v6, v5;
	v9 =	vsel vm1, v59, v9;
	vm1 =	vle.f32 v37, v49;
	v37 =	vld [tilespmem:$0x1FE30]  }
0xb3: {  	v19 =	vsel vm15, v27, v61;
	v26 =	vadd.s32 v31, v3;
	v27 =	vld.idx.msk [tilespmem:v35+s9+$0x0], $0xffff;
	v18 =	vshrl.u32 v18, $0x1  }
0xb4: {  	v23 =	vsel vm14, v42, v62;
	v42 =	vld [tilespmem:$0x1FD00];
	v20 =	vadd.s32 v40, v10;
	v26 =	vshrl.u32 v26, $0x1  }
0xb5: {  	v28 =	vadd.s32 v19, v7;
	v20 =	vshrl.u32 v20, $0x1;
	vm0 =	vle.f32 v1, v43;
	v63 =	vld.idx.msk [tilespmem:v24+s9+$0x0], $0xffff  }
0xb6: {  	v61 =	vor.u32 $0x1, v16;
	v28 =	vshrl.u32 v28, $0x1;
	v11 =	vsel vm0, v57, v11;
	v57 =	vld [tilespmem:$0x1FDF0]  }
0xb7: {  	[tilespmem:$0x1FFB0] =	vst v34;
	v0 =	vmovc v34;
	v34 =	vor.u32 $0x1, v55;
	v38 =	vadd.s32 v9, v14;
	vm3 =	vle.f32 v29, v37;
	v37 =	vld [tilespmem:$0x1FE10]  }
0xb8: {  	v0 =	vor.u32 $0x1, v0;
	v41 =	vshrl.u32 v38, $0x1;
	v38 =	vor.u32 $0x1, v53;
	v59 =	vld.idx.msk [tilespmem:v18+s9+$0x0], $0xffff  }
0xb9: {  	vm10 =	vle.f32 v25, v39;
	v17 =	vsel vm0, v17, v30;
	v30 =	vadd.s32 v23, v12;
	v2 =	vld.idx.msk [tilespmem:v26+s9+$0x0], $0xffff  }
0xba: {  	v39 =	vimm.s32 $0x0;
	v25 =	vadd.s32 $0x1, v20;
	v30 =	vshrl.u32 v30, $0x1;
	v58 =	vld.idx.msk [tilespmem:v20+s9+$0x0], $0xffff  }
0xbb: {  	vm2 =	vle.f32 v32, v42;
	v29 =	vadd.s32 $0x1, v26;
	v50 =	vadd.s32 v11, v17;
	v1 =	vld.idx.msk [tilespmem:v28+s9+$0x0], $0xffff  }
0xbc: {  	[tilespmem:$0x1FF50] =	vst v0;
	v0 =	vsel vm3, $0xFFFFFFFF, v39;
	v39 =	vimm.s32 $0x0;
	vm0 =	vle.f32 v15, v57;
	v57 =	vld [tilespmem:$0x1FE00]  }
0xbd: {  	[tilespmem:$0x1FF80] =	vst v35;
	v62 =	vshrl.u32 v50, $0x1;
	v50 =	vor.u32 $0x1, v35;
	vm3 =	vle.f32 v27, v37;
	v37 =	vld [tilespmem:$0x1FD20]  }
0xbe: {  	v35 =	vor.u32 $0x1, v51;
	[tilespmem:$0x1FF60] =	vst v0;
	v27 =	vadd.s32 $0x1, v28;
	v0 =	vsel vm3, $0xFFFFFFFF, v39;
	v39 =	vld [tilespmem:$0x1FD30]  }
0xbf: {  	v32 =	vld.idx.msk [tilespmem:v30+s9+$0x0], $0xffff;
	vm3 =	vle.f32 v59, v45;
	vm7 =	vle.f32 v2, v48;
	vm4 =	vle.f32 v58, v46  }
0xc0: {  	vm6 =	vle.f32 v1, v47;
	v59 =	vsel vm3, v6, v18;
	v3 =	vsel vm7, v29, v3  }
0xc1: {  	v2 =	vsel vm4, v25, v10;
	v7 =	vsel vm6, v27, v7;
	vm11 =	vle.f32 v22, v57  }
0xc2: {  	[tilespmem:$0x1FDD0] =	vst v0;
	v0 =	vsel vm2, v61, v37;
	v37 =	vadd.s32 $0x1, v24;
	v61 =	vadd.s32 $0x1, v41  }
0xc3: {  	[tilespmem:$0x1FFE0] =	vst v0;
	v0 =	vsel vm2, v39, v16;
	v16 =	vadd.s32 $0x1, v18;
	v39 =	vadd.s32 $0x1, v62  }
0xc4: {  	v21 =	vld.idx.msk [tilespmem:v54+s9+$0x0], $0xffff;
	vm2 =	vle.f32 v63, v8;
	vm5 =	vle.f32 v32, v33;
	v63 =	vsel vm4, v40, v20  }
0xc5: {  	v58 =	vmovc v33;
	v33 =	vsel vm7, v31, v26;
	[tilespmem:$0x1FFD0] =	vst v0;
	v0 =	vadd.s32 $0x1, v30;
	v5 =	vsel vm3, v16, v5  }
0xc6: {  	v57 =	vld [tilespmem:$0x1FD10];
	v10 =	vsel vm2, v37, v44;
	v32 =	vsel vm2, v4, v24;
	v16 =	vsel vm6, v19, v28  }
0xc7: {  	v22 =	vld.idx.msk [tilespmem:v62+s9+$0x0], $0xffff;
	v37 =	vsel vm5, v23, v30;
	v6 =	vadd.s32 v63, v2;
	v4 =	vadd.s32 v33, v3  }
0xc8: {  	v12 =	vsel vm5, v0, v12;
	v18 =	vadd.s32 v59, v5;
	v19 =	vshrl.u32 v6, $0x1  }
0xc9: {  	v40 =	vld [tilespmem:$0x1FD40];
	v16 =	vadd.s32 v16, v7;
	v23 =	vshrl.u32 v4, $0x1;
	vm7 =	vlt.u32 v6, $0x200  }
0xca: {  	v44 =	vld [tilespmem:$0x1FD60];
	vm5 =	vlt.u32 v4, $0x200;
	v20 =	vshrl.u32 v18, $0x1;
	v25 =	vadd.s32 v37, v12  }
0xcb: {  	v63 =	vld [tilespmem:$0x1FD90];
	v26 =	vshrl.u32 v16, $0x1;
	v27 =	vmin.u32 v23, $0xFF;
	vm6 =	vlt.u32 v18, $0x200  }
0xcc: {  	vm12 =	vle.f32 v21, v57;
	v21 =	vld.idx.msk [tilespmem:v41+s9+$0x0], $0xffff;
	vm8 =	vle.f32 v22, v43;
	v22 =	vmin.u32 v20, $0xFF  }
0xcd: {  	vm3 =	vlt.u32 v16, $0x200;
	v29 =	vmin.u32 v26, $0xFF;
	v11 =	vsel vm8, v11, v62;
	v62 =	vld [tilespmem:$0x1FD80]  }
0xce: {  	v17 =	vsel vm8, v39, v17;
	v39 =	vmin.u32 v19, $0xFF;
	v1 =	vsel vm12, v52, v54;
	v52 =	vld [tilespmem:$0x1FDB0]  }
0xcf: {  	v28 =	vshrl.u32 v25, $0x1;
	v16 =	vadd.s32 $0x1, v20;
	v0 =	vsel vm1, v44, v56;
	v44 =	vld [tilespmem:$0x1FDA0]  }
0xd0: {  	v20 =	vadd.s32 $0x1, v26;
	v31 =	vmin.u32 v28, $0xFF;
	v11 =	vadd.s32 v11, v17;
	v27 =	vld.idx.msk [tilespmem:v27+s9+$0x0], $0xffff  }
0xd1: {  	v15 =	vmovc v8;
	v54 =	vsel vm10, v35, v63;
	v33 =	vshrl.u32 v11, $0x1;
	vm9 =	vle.f32 v21, v13;
	v22 =	vld.idx.msk [tilespmem:v22+s9+$0x0], $0xffff  }
0xd2: {  	v8 =	vmovc v13;
	v59 =	vmin.u32 v33, $0xFF;
	v13 =	vadd.s32 v32, v10;
	v29 =	vld.idx.msk [tilespmem:v29+s9+$0x0], $0xffff;
	v14 =	vsel vm9, v61, v14  }
0xd3: {  	v9 =	vsel vm9, v9, v41;
	v21 =	vshrl.u32 v13, $0x1;
	v32 =	vld.idx.msk [tilespmem:v39+s9+$0x0], $0xffff;
	v39 =	vsel vm1, v60, v40  }
0xd4: {  	v41 =	vld [tilespmem:$0x1FD50];
	v35 =	vsel vm11, v52, v53;
	vm4 =	vlt.u32 v13, $0x200;
	vm1 =	vlt.u32 v25, $0x200  }
0xd5: {  	v61 =	vld [tilespmem:$0x1FD70];
	vm9 =	vlt.u32 v11, $0x200;
	v60 =	vadd.s32 $0x1, v23;
	v9 =	vadd.s32 v9, v14  }
0xd6: {  	v31 =	vld.idx.msk [tilespmem:v31+s9+$0x0], $0xffff;
	v24 =	vmin.u32 v21, $0xFF;
	v38 =	vsel vm11, v38, v44;
	v30 =	vshrl.u32 v9, $0x1  }
0xd7: {  	vm2 =	vlt.u32 v9, $0x200;
	v37 =	vmin.u32 v30, $0xFF;
	v56 =	vld.idx.msk [tilespmem:v59+s9+$0x0], $0xffff;
	v59 =	vadd.s32 $0x1, v19  }
0xd8: {  	v18 =	vadd.s32 $0x1, v30;
	v19 =	vadd.s32 $0x1, v28;
	vm13 =	vle.f32 v27, v48  }
0xd9: {  	vm8 =	vle.f32 v22, v45;
	vm5 =	vmand vm13, vm5;
	v41 =	vsel vm0, v34, v41  }
0xda: {  	v61 =	vsel vm12, v36, v61;
	v36 =	vsel vm0, v62, v55;
	v62 =	vadd.s32 $0x1, v21  }
0xdb: {  	v21 =	vadd.s32 $0x1, v33;
	vm11 =	vle.f32 v32, v46;
	vm12 =	vle.f32 v29, v47  }
0xdc: {  	vm0 =	vle.f32 v31, v58;
	vm6 =	vmand vm8, vm6;
	v3 =	vsel vm5, v60, v3  }
0xdd: {  	vm7 =	vmand vm11, vm7;
	v63 =	vsel vm6, v16, v5;
	vm3 =	vmand vm12, vm3  }
0xde: {  	vm0 =	vmand vm0, vm1;
	v22 =	vmax.u32 v3, $0x1;
	vm8 =	vlt.u32 v3, $0x100  }
0xdf: {  	v24 =	vld.idx.msk [tilespmem:v24+s9+$0x0], $0xffff;
	v52 =	vsel vm7, v59, v2;
	v33 =	vmin.u32 v63, $0xFF;
	v7 =	vsel vm3, v20, v7  }
0xe0: {  	v40 =	vsel vm0, v19, v12;
	v59 =	vld [tilespmem:$0x1FDC0];
	v20 =	vmax.u32 v63, $0x1;
	v32 =	vmin.u32 v52, $0xFF  }
0xe1: {  	vm12 =	vlt.u32 v63, $0x100;
	v55 =	vld.idx.msk [tilespmem:v37+s9+$0x0], $0xffff;
	vm11 =	vle.f32 v56, v43;
	v37 =	vmin.u32 v3, $0xFF  }
0xe2: {  	v53 =	vld [tilespmem:$0x1FE90];
	v44 =	vmin.u32 v7, $0xFF;
	v56 =	vmin.u32 v40, $0xFF;
	v19 =	vmax.u32 v52, $0x1  }
0xe3: {  	v60 =	vld [tilespmem:$0x1FDD0];
	v23 =	vmax.u32 v7, $0x1;
	vm7 =	veq.s32 v7, $0x0;
	vm6 =	vlt.u32 v7, $0x100  }
0xe4: {  	vm5 =	veq.s32 v40, $0x0;
	vm0 =	vmand vm11, vm9;
	vm14 =	vle.f32 v24, v15;
	v6 =	vld.idx.msk [tilespmem:v33+s9+$0x0], $0xffff  }
0xe5: {  	vm4 =	vmand vm14, vm4;
	v31 =	vsel vm10, v59, v51;
	v51 =	vimm.s32 $0x1;
	v4 =	vld.idx.msk [tilespmem:v32+s9+$0x0], $0xffff  }
0xe6: {  	v16 =	vsel vm0, v21, v17;
	v5 =	vsel vm4, v62, v10;
	v62 =	vld [tilespmem:$0x1FDE0];
	v19 =	vsub.s32 v19, v51  }
0xe7: {  	vm11 =	veq.s32 v63, $0x0;
	v63 =	vmax.u32 v16, $0x1;
	v10 =	vld.idx.msk [tilespmem:v37+s9+$0x0], $0xffff;
	v20 =	vsub.s32 v20, v51  }
0xe8: {  	v24 =	vmax.u32 v40, $0x1;
	vm15 =	vle.f32 v55, v8;
	v12 =	vld.idx.msk [tilespmem:v44+s9+$0x0], $0xffff;
	v2 =	vsub.s32 v63, v51  }
0xe9: {  	v23 =	vsub.s32 v23, v51;
	vm4 =	vlt.u32 v40, $0x100;
	v40 =	vld [tilespmem:$0x1FDF0];
	vm1 =	vmand vm15, vm2  }
0xea: {  	vm9 =	vnez.u8 v60;
	v34 =	vmin.u32 v5, $0xFF;
	v55 =	vsel vm1, v18, v14;
	v14 =	vld.idx.msk [tilespmem:v56+s9+$0x0], $0xffff  }
0xeb: {  	vm0 =	vlt.u32 v16, $0x100;
	vm10 =	vlt.u32 v52, $0x100;
	v22 =	vsub.s32 v22, v51;
	v19 =	vld.idx.msk [tilespmem:v19+s9+$0x0], $0xffff  }
0xec: {  	v21 =	vmax.u32 v5, $0x1;
	vm13 =	veq.s32 v5, $0x0;
	v18 =	vmin.u32 v16, $0xFF;
	v32 =	vld.idx.msk [tilespmem:v20+s9+$0x0], $0xffff  }
0xed: {  	vm14 =	vlt.u32 v5, $0x100;
	vm15 =	veq.s32 v3, $0x0;
	v21 =	vsub.s32 v21, v51;
	v2 =	vld.idx.msk [tilespmem:v2+s9+$0x0], $0xffff  }
0xee: {  	v29 =	vmovc v8;
	vm1 =	veq.s32 v16, $0x0;
	v17 =	vmin.u32 v55, $0xFF;
	v8 =	vmax.u32 v55, $0x1;
	v37 =	vld.idx.msk [tilespmem:v23+s9+$0x0], $0xffff  }
0xef: {  	vm3 =	veq.s32 v55, $0x0;
	vm2 =	vlt.u32 v55, $0x100;
	v5 =	vsub.s32 v8, v51;
	v9 =	vld.idx.msk [tilespmem:v34+s9+$0x0], $0xffff  }
0xf0: {  	v6 =	vsub.f32 v6, v45;
	v50 =	vsel vm9, v50, v62;
	v4 =	vsub.f32 v4, v46;
	v34 =	vld.idx.msk [tilespmem:v22+s9+$0x0], $0xffff  }
0xf1: {  	v20 =	vsub.s32 v24, v51;
	v12 =	vsub.f32 v12, v47;
	v10 =	vsub.f32 v10, v48;
	v18 =	vld.idx.msk [tilespmem:v18+s9+$0x0], $0xffff  }
0xf2: {  	v6 =	vmul.f32 v6, v6;
	v33 =	vld.idx.msk [tilespmem:v21+s9+$0x0], $0xffff;
	v14 =	vsub.f32 v14, v58;
	v4 =	vmul.f32 v4, v4  }
0xf3: {  	v12 =	vmul.f32 v12, v12;
	v17 =	vld.idx.msk [tilespmem:v17+s9+$0x0], $0xffff;
	v19 =	vsub.f32 v46, v19;
	v3 =	vsub.f32 v45, v32  }
0xf4: {  	v10 =	vmul.f32 v10, v10;
	v5 =	vld.idx.msk [tilespmem:v5+s9+$0x0], $0xffff;
	v2 =	vsub.f32 v43, v2;
	v13 =	vsub.f32 v47, v37  }
0xf5: {  	v59 =	vmovc v57;
	v57 =	vld [tilespmem:$0x1FEA0];
	v14 =	vmul.f32 v14, v14;
	v9 =	vsub.f32 v9, v15;
	v11 =	vsub.f32 v48, v34  }
0xf6: {  	v56 =	vmovc v49;
	v45 =	vld [tilespmem:$0x1FE20];
	v16 =	vsub.f32 v18, v43;
	v2 =	vmul.f32 v2, v2;
	v3 =	vmul.f32 v3, v3  }
0xf7: {  	v18 =	vld.idx.msk [tilespmem:v20+s9+$0x0], $0xffff;
	v7 =	vsub.f32 v15, v33;
	v19 =	vmul.f32 v19, v19;
	v13 =	vmul.f32 v13, v13  }
0xf8: {  	v23 =	vmovc v58;
	v47 =	vld [tilespmem:$0x1FE40];
	v17 =	vsub.f32 v17, v29;
	v9 =	vmul.f32 v9, v9;
	v11 =	vmul.f32 v11, v11  }
0xf9: {  	v49 =	vld [tilespmem:$0x1FE80];
	v44 =	vmovc v40;
	v16 =	vmul.f32 v16, v16;
	v5 =	vsub.f32 v29, v5;
	v40 =	vmin.f32 v3, v6  }
0xfa: {  	v55 =	vmovc v42;
	v42 =	vld [tilespmem:$0x1FE00];
	v7 =	vmul.f32 v7, v7;
	v17 =	vmul.f32 v17, v17;
	v3 =	vsel vm12, v40, v3  }
0xfb: {  	v46 =	vld [tilespmem:$0x1FE30];
	v60 =	vmovc v45;
	v45 =	vmin.f32 v19, v4;
	v20 =	vmin.f32 v2, v16;
	v5 =	vmul.f32 v5, v5  }
0xfc: {  	v43 =	vld [tilespmem:$0x1FE10];
	v33 =	vmin.f32 v7, v9;
	v3 =	vsel vm11, v6, v3;
	v18 =	vsub.f32 v23, v18  }
0xfd: {  	v2 =	vsel vm0, v20, v2;
	vm0 =	vnez.u8 v47;
	v20 =	vld [tilespmem:$0x1FE50];
	v7 =	vsel vm14, v33, v7  }
0xfe: {  	v32 =	vld [tilespmem:$0x1FEC0];
	v33 =	vadd.s32 $0xFFFFFFFF, v0;
	v2 =	vsel vm1, v16, v2;
	v16 =	vmin.f32 v5, v17  }
0xff: {  	v37 =	vld [tilespmem:$0x1FEE0];
	v7 =	vsel vm13, v9, v7;
	v18 =	vmul.f32 v18, v18;
	v5 =	vsel vm2, v16, v5  }
0x100: {  	v58 =	vmovc v42;
	v42 =	vld [tilespmem:$0x1FEF0];
	v2 =	vnsel vm0, $0x0, v2;
	vm0 =	vnez.u8 v49;
	v5 =	vsel vm3, v17, v5  }
0x101: {  	v48 =	vld [tilespmem:$0x1FE70];
	v17 =	vmin.f32 v13, v12;
	v16 =	vmin.f32 v18, v14;
	v5 =	vnsel vm0, $0x0, v5  }
0x102: {  	v62 =	vmovc v43;
	v43 =	vld [tilespmem:$0x1FF00];
	v13 =	vsel vm6, v17, v13;
	v2 =	vadd.f32 v2, v20;
	v16 =	vsel vm4, v16, v18  }
0x103: {  	vm0 =	vnez.u8 v57;
	v57 =	vld [tilespmem:$0x1FF60];
	v12 =	vsel vm7, v12, v13;
	v14 =	vsel vm5, v14, v16  }
0x104: {  	v20 =	vld [tilespmem:$0x1FE60];
	v16 =	vmin.f32 v11, v10;
	v2 =	vadd.f32 v5, v2;
	v14 =	vnsel vm0, $0x0, v14  }
0x105: {  	v47 =	vld [tilespmem:$0x1FF20];
	vm0 =	vnez.u8 v32;
	v11 =	vsel vm8, v16, v11;
	v32 =	vadd.s32 $0xFFFFFFFF, v36  }
0x106: {  	v34 =	vld [tilespmem:$0x1FED0];
	v16 =	vor.u32 v33, v39;
	v12 =	vnsel vm0, $0x0, v12;
	v10 =	vsel vm15, v10, v11  }
0x107: {  	v15 =	vld [tilespmem:$0x1FFD0];
	vm0 =	vnez.u8 v37;
	v37 =	vadd.s32 $0xFFFFFFFF, v31;
	v18 =	vor.u32 v32, v41  }
0x108: {  	v11 =	vld [tilespmem:$0x1FF90];
	v2 =	vadd.f32 v14, v2;
	v10 =	vnsel vm0, $0x0, v10;
	vm0 =	vnez.u8 v43  }
0x109: {  	v14 =	vld [tilespmem:$0x1FEB0];
	vm1 =	vnez.u8 v57;
	v43 =	vadd.s32 $0xFFFFFFFF, v35;
	v20 =	vadd.f32 v48, v20  }
0x10a: {  	v13 =	vld [tilespmem:$0x1FFB0];
	v7 =	vnsel vm0, $0x0, v7;
	vm0 =	vnez.u8 v47;
	v48 =	vsel vm10, v45, v19  }
0x10b: {  	v45 =	vadd.s32 $0xFFFFFFFF, v1;
	v19 =	vor.u32 v43, v38;
	v2 =	vadd.f32 v12, v2;
	v12 =	vld [tilespmem:$0x1FFA0]  }
0x10c: {  	v9 =	vld [tilespmem:$0x1FF70];
	v3 =	vnsel vm0, $0x0, v3;
	vm0 =	veq.s32 v52, $0x0;
	v5 =	vadd.f32 v53, v20  }
0x10d: {  	v17 =	vor.u32 v45, v61;
	v4 =	vsel vm0, v4, v48;
	v2 =	vadd.f32 v10, v2;
	v10 =	vld [tilespmem:$0x1FF80]  }
0x10e: {  	vm0 =	vnez.u8 v11;
	v11 =	vxor.u32 v45, v61;
	v5 =	vadd.f32 v14, v5  }
0x10f: {  	v48 =	vld [tilespmem:$0x1FFE0];
	v4 =	vnsel vm0, $0x0, v4;
	v11 =	vshrl.u32 v11, $0x1;
	v2 =	vadd.f32 v7, v2  }
0x110: {  	v63 =	vmovc v46;
	v46 =	vld [tilespmem:$0x1FF10];
	v11 =	vsub.s32 v17, v11;
	v5 =	vadd.f32 v34, v5;
	v7 =	vsel vm1, v12, v13  }
0x111: {  	v49 =	vld [tilespmem:$0x1FF30];
	v34 =	vadd.s32 $0xFFFFFFFF, v15;
	v28 =	vor.u32 $0x1, v11;
	v2 =	vadd.f32 v3, v2  }
0x112: {  	v52 =	vld [tilespmem:$0x1FF40];
	v5 =	vadd.f32 v42, v5;
	v6 =	vsel vm9, v9, v10;
	v10 =	vxor.u32 v43, v38  }
0x113: {  	v53 =	vld [tilespmem:$0x1FF50];
	v9 =	vxor.u32 v37, v54;
	v42 =	vadd.f32 v4, v2;
	v47 =	vadd.s32 $0xFFFFFFFF, v6  }
0x114: {  	v4 =	vxor.u32 v34, v48;
	v2 =	vxor.u32 v32, v41;
	v10 =	vshrl.u32 v10, $0x1  }
0x115: {  	v14 =	vld [tilespmem:$0x1FFC0];
	v9 =	vshrl.u32 v9, $0x1;
	v5 =	vadd.f32 v46, v5;
	v46 =	vadd.s32 $0xFFFFFFFF, v7  }
0x116: {  	v4 =	vshrl.u32 v4, $0x1;
	v2 =	vshrl.u32 v2, $0x1;
	v10 =	vsub.s32 v19, v10  }
0x117: {  	v2 =	vsub.s32 v18, v2;
	v3 =	vadd.f32 v49, v5;
	v49 =	vor.u32 v34, v48  }
0x118: {  	v5 =	vsel vm1, v53, v52;
	v52 =	vor.u32 v37, v54;
	v4 =	vsub.s32 v49, v4  }
0x119: {  	v18 =	vld.idx.msk [tilespmem:v11+s9+$0x0], $0xffff;
	v17 =	vxor.u32 v46, v5;
	v9 =	vsub.s32 v52, v9;
	v12 =	vor.u32 v46, v5  }
0x11a: {  	v40 =	vadd.f32 v14, v3;
	v3 =	vxor.u32 v33, v39;
	v17 =	vshrl.u32 v17, $0x1  }
0x11b: {  	v13 =	vxor.u32 v47, v50;
	v3 =	vshrl.u32 v3, $0x1;
	v12 =	vsub.s32 v12, v17;
	v19 =	vld.idx.msk [tilespmem:v10+s9+$0x0], $0xffff  }
0x11c: {  	v13 =	vshrl.u32 v13, $0x1;
	v3 =	vsub.s32 v16, v3;
	v16 =	vor.u32 v47, v50;
	v17 =	vld.idx.msk [tilespmem:v2+s9+$0x0], $0xffff  }
0x11d: {  	v27 =	vor.u32 $0x1, v10;
	v23 =	vor.u32 $0x1, v2;
	v13 =	vsub.s32 v16, v13;
	v53 =	vld.idx.msk [tilespmem:v4+s9+$0x0], $0xffff  }
0x11e: {  	v25 =	vor.u32 $0x1, v4;
	v26 =	vor.u32 $0x1, v9;
	vm1 =	vle.f32 v18, v59;
	v20 =	vld.idx.msk [tilespmem:v9+s9+$0x0], $0xffff  }
0x11f: {  	v29 =	vor.u32 $0x1, v12;
	v24 =	vor.u32 $0x1, v3;
	v57 =	vsel vm1, v28, v61  }
0x120: {  	v1 =	vsel vm1, v1, v11;
	v30 =	vor.u32 $0x1, v13;
	v22 =	vld.idx.msk [tilespmem:v12+s9+$0x0], $0xffff;
	vm10 =	vle.f32 v19, v58  }
0x121: {  	v16 =	vld.idx.msk [tilespmem:v3+s9+$0x0], $0xffff;
	vm2 =	vle.f32 v17, v44;
	v18 =	vsel vm10, v27, v38;
	v10 =	vsel vm10, v35, v10  }
0x122: {  	v21 =	vld.idx.msk [tilespmem:v13+s9+$0x0], $0xffff;
	v8 =	vsel vm2, v23, v41;
	v2 =	vsel vm2, v36, v2;
	v41 =	vand.u32 v1, v57  }
0x123: {  	v23 =	vand.u32 v10, v18;
	vm0 =	vle.f32 v53, v55;
	vm9 =	vle.f32 v20, v60  }
0x124: {  	v14 =	vsel vm0, v25, v48;
	v4 =	vsel vm0, v15, v4;
	v61 =	vsel vm9, v26, v54  }
0x125: {  	v25 =	vxor.u32 v10, v18;
	vm11 =	vle.f32 v22, v63;
	v36 =	vand.u32 v4, v14  }
0x126: {  	v22 =	vxor.u32 v2, v8;
	vm3 =	vle.f32 v16, v56;
	v20 =	vsel vm11, v29, v5  }
0x127: {  	v19 =	vsel vm11, v7, v12;
	v22 =	vshrl.u32 v22, $0x1;
	vm15 =	vle.f32 v21, v62  }
0x128: {  	v15 =	vsel vm3, v24, v39;
	v0 =	vsel vm3, v0, v3;
	v39 =	vxor.u32 v4, v14  }
0x129: {  	v21 =	vand.u32 v2, v8;
	v24 =	vxor.u32 v1, v57;
	v17 =	vsel vm15, v30, v50  }
0x12a: {  	v16 =	vsel vm15, v6, v13;
	v6 =	vsel vm9, v31, v9;
	v37 =	vand.u32 v0, v15  }
0x12b: {  	v38 =	vxor.u32 v0, v15;
	v12 =	vshrl.u32 v39, $0x1;
	v24 =	vshrl.u32 v24, $0x1  }
0x12c: {  	v28 =	vadd.s32 v22, v21;
	v22 =	vshrl.u32 v25, $0x1;
	v9 =	vshrl.u32 v38, $0x1  }
0x12d: {  	v5 =	vadd.s32 v12, v36;
	v43 =	vand.u32 v6, v61;
	v45 =	vxor.u32 v6, v61  }
0x12e: {  	v13 =	vadd.s32 v24, v41;
	v24 =	vxor.u32 v16, v17;
	v25 =	vadd.s32 v22, v23  }
0x12f: {  	v22 =	vxor.u32 v19, v20;
	v7 =	vadd.s32 v9, v37;
	v9 =	vshrl.u32 v45, $0x1  }
0x130: {  	v23 =	vshrl.u32 v24, $0x1;
	v24 =	vand.u32 v19, v20;
	v22 =	vshrl.u32 v22, $0x1  }
0x131: {  	v21 =	vand.u32 v16, v17;
	v9 =	vadd.s32 v9, v43;
	v33 =	vadd.s32 v22, v24;
	v22 =	vld.idx.msk [tilespmem:v28+s9+$0x0], $0xffff  }
0x132: {  	v36 =	vadd.s32 v23, v21;
	v46 =	vld.idx.msk [tilespmem:v5+s9+$0x0], $0xffff  }
0x133: {  	v23 =	vld.idx.msk [tilespmem:v13+s9+$0x0], $0xffff  }
0x134: {  	v24 =	vld.idx.msk [tilespmem:v25+s9+$0x0], $0xffff  }
0x135: {  	v21 =	vld.idx.msk [tilespmem:v7+s9+$0x0], $0xffff  }
0x136: {  	v30 =	vadd.s32 $0x1, v28;
	v47 =	vadd.s32 $0x1, v5;
	v49 =	vadd.s32 $0x1, v25;
	v26 =	vld.idx.msk [tilespmem:v9+s9+$0x0], $0xffff  }
0x137: {  	v50 =	vadd.s32 $0x1, v13;
	v31 =	vadd.s32 $0x1, v7;
	v48 =	vadd.s32 $0x1, v9;
	v27 =	vld.idx.msk [tilespmem:v36+s9+$0x0], $0xffff  }
0x138: {  	v37 =	vadd.s32 $0x1, v33;
	v38 =	vadd.s32 $0x1, v36;
	v29 =	vld.idx.msk [tilespmem:v33+s9+$0x0], $0xffff;
	vm12 =	vle.f32 v22, v44  }
0x139: {  	vm2 =	vle.f32 v46, v55;
	vm3 =	vle.f32 v23, v59;
	vm15 =	vle.f32 v24, v58  }
0x13a: {  	s13 =	sadd.s32 $0x8, s13;
	v23 =	vsel vm12, v30, v8;
	v32 =	vsel vm12, v2, v28;
	vm13 =	vle.f32 v21, v56  }
0x13b: {  	p0 =	slt.u32 s13, $0x180;
	v21 =	vsel vm3, v50, v57;
	v22 =	vsel vm3, v1, v13;
	v24 =	vsel vm15, v49, v18  }
.Ltmp0:
0x13c: {  	v25 =	vsel vm15, v10, v25;
	v39 =	vadd.s32 v32, v23;
	vm1 =	vle.f32 v27, v62;
	(pc) =	sbr.rel @p0 .LBB2_2-.Ltmp0, $4  }
0x13d: {  	vm14 =	vle.f32 v26, v60;
	vm0 =	vle.f32 v29, v63;
	v26 =	vsel vm2, v47, v14  }
0x13e: {  	v27 =	vsel vm2, v4, v5;
	v30 =	vsel vm13, v31, v15;
	v31 =	vsel vm13, v0, v7  }
0x13f: {  	v57 =	vadd.s32 v27, v26;
	v28 =	vsel vm14, v48, v61;
	v61 =	vadd.s32 v31, v30  }
0x140: {  	s14 =	sadd.s32 $0x80, s14;
	v54 =	vmovc v44;
	v29 =	vsel vm14, v6, v9;
	v34 =	vshrl.u32 v57, $0x1;
	v35 =	vshrl.u32 v61, $0x1  }
0x141: {  	v0 =	vsel vm1, v38, v17  }
0x142: {  	v1 =	vshrl.u32 v39, $0x1;
	v2 =	vsel vm1, v16, v36;
	v3 =	vadd.s32 v29, v28  }
0x143: {  	v4 =	vadd.s32 v25, v24;
	v6 =	vsel vm0, v37, v20;
	v3 =	vshrl.u32 v3, $0x1  }
0x144: {  	v7 =	vsel vm0, v19, v33;
	v5 =	vadd.s32 v2, v0;
	v4 =	vshrl.u32 v4, $0x1  }
0x145: {  	v8 =	vld.idx.msk [tilespmem:v34+s9+$0x0], $0xffff;
	v9 =	vadd.s32 v7, v6;
	v5 =	vshrl.u32 v5, $0x1  }
0x146: {  	v10 =	vld.idx.msk [tilespmem:v35+s9+$0x0], $0xffff;
	v9 =	vshrl.u32 v9, $0x1  }
0x147: {  	v11 =	vld.idx.msk [tilespmem:v1+s9+$0x0], $0xffff  }
0x148: {  	v12 =	vld.idx.msk [tilespmem:v3+s9+$0x0], $0xffff  }
0x149: {  	v13 =	vadd.s32 v22, v21;
	v18 =	vadd.s32 $0x1, v35;
	v15 =	vld.idx.msk [tilespmem:v4+s9+$0x0], $0xffff  }
0x14a: {  	v50 =	vadd.s32 $0x1, v34;
	v13 =	vshrl.u32 v13, $0x1;
	v49 =	vadd.s32 $0x1, v1;
	v14 =	vld.idx.msk [tilespmem:v5+s9+$0x0], $0xffff  }
0x14b: {  	v52 =	vadd.s32 $0x1, v3;
	v53 =	vadd.s32 $0x1, v4;
	vm14 =	vle.f32 v8, v55;
	v48 =	vld.idx.msk [tilespmem:v9+s9+$0x0], $0xffff  }
0x14c: {  	vm2 =	vle.f32 v10, v56;
	v8 =	vsel vm14, v50, v26;
	v10 =	vsel vm14, v27, v34  }
0x14d: {  	v57 =	vadd.s32 $0x1, v9;
	v61 =	vadd.s32 $0x1, v5;
	v33 =	vadd.s32 v10, v8  }
0x14e: {  	v16 =	vshrl.u32 v33, $0x1;
	vm15 =	vle.f32 v11, v54;
	v11 =	vsel vm2, v18, v30  }
0x14f: {  	vm4 =	vle.f32 v12, v60;
	vm8 =	vle.f32 v15, v58;
	v12 =	vsel vm2, v31, v35  }
0x150: {  	v1 =	vsel vm15, v32, v1;
	vm3 =	vle.f32 v14, v62;
	vm9 =	vle.f32 v48, v63  }
0x151: {  	v14 =	vsel vm15, v49, v23;
	v15 =	vsel vm8, v53, v24;
	v4 =	vsel vm8, v25, v4  }
0x152: {  	v17 =	vsel vm4, v52, v28;
	v18 =	vadd.s32 v12, v11;
	v3 =	vsel vm4, v29, v3  }
0x153: {  	v34 =	vadd.s32 v1, v14;
	v18 =	vshrl.u32 v18, $0x1;
	v0 =	vsel vm3, v61, v0  }
0x154: {  	v2 =	vsel vm3, v2, v5;
	v5 =	vadd.s32 v3, v17;
	v19 =	vshrl.u32 v34, $0x1  }
0x155: {  	v37 =	vadd.s32 v4, v15;
	v6 =	vsel vm9, v57, v6;
	v5 =	vshrl.u32 v5, $0x1  }
0x156: {  	v35 =	vld.idx.msk [tilespmem:v13+s9+$0x0], $0xffff;
	v7 =	vsel vm9, v7, v9;
	v38 =	vadd.s32 v2, v0;
	v23 =	vshrl.u32 v37, $0x1  }
0x157: {  	v24 =	vld.idx.msk [tilespmem:v16+s9+$0x0], $0xffff;
	v39 =	vadd.s32 v7, v6;
	v9 =	vshrl.u32 v38, $0x1  }
0x158: {  	v25 =	vshrl.u32 v39, $0x1;
	v26 =	vld.idx.msk [tilespmem:v18+s9+$0x0], $0xffff  }
0x159: {  	v43 =	vld.idx.msk [tilespmem:v19+s9+$0x0], $0xffff  }
0x15a: {  	v41 =	vadd.s32 $0x1, v13;
	v50 =	vadd.s32 $0x1, v16;
	v49 =	vadd.s32 $0x1, v18;
	v44 =	vld.idx.msk [tilespmem:v5+s9+$0x0], $0xffff  }
0x15b: {  	v48 =	vadd.s32 $0x1, v19;
	v52 =	vadd.s32 $0x1, v5;
	vm10 =	vle.f32 v35, v59;
	v46 =	vld.idx.msk [tilespmem:v23+s9+$0x0], $0xffff  }
0x15c: {  	v53 =	vadd.s32 $0x1, v23;
	v21 =	vsel vm10, v41, v21;
	vm11 =	vle.f32 v24, v55;
	v45 =	vld.idx.msk [tilespmem:v9+s9+$0x0], $0xffff  }
0x15d: {  	v13 =	vsel vm10, v22, v13;
	v8 =	vsel vm11, v50, v8;
	v10 =	vsel vm11, v10, v16;
	v47 =	vld.idx.msk [tilespmem:v25+s9+$0x0], $0xffff  }
0x15e: {  	v57 =	vadd.s32 $0x1, v25;
	v27 =	vadd.s32 v13, v21;
	v16 =	vadd.s32 v10, v8  }
0x15f: {  	v61 =	vadd.s32 $0x1, v9;
	v27 =	vshrl.u32 v27, $0x1;
	v16 =	vshrl.u32 v16, $0x1  }
0x160: {  	vm13 =	vle.f32 v26, v56;
	vm12 =	vle.f32 v43, v54;
	vm15 =	vle.f32 v44, v60  }
0x161: {  	vm8 =	vle.f32 v46, v58;
	v11 =	vsel vm13, v49, v11;
	v12 =	vsel vm13, v12, v18  }
0x162: {  	vm14 =	vle.f32 v45, v62;
	vm9 =	vle.f32 v47, v63;
	v14 =	vsel vm12, v48, v14  }
0x163: {  	v1 =	vsel vm12, v1, v19;
	v15 =	vsel vm8, v53, v15;
	v4 =	vsel vm8, v4, v23  }
0x164: {  	v17 =	vsel vm15, v52, v17;
	v18 =	vadd.s32 v12, v11;
	v3 =	vsel vm15, v3, v5  }
0x165: {  	v5 =	vadd.s32 v1, v14;
	v18 =	vshrl.u32 v18, $0x1;
	v0 =	vsel vm14, v61, v0  }
0x166: {  	v2 =	vsel vm14, v2, v9;
	v35 =	vadd.s32 v3, v17;
	v5 =	vshrl.u32 v5, $0x1  }
0x167: {  	v37 =	vadd.s32 v4, v15;
	v6 =	vsel vm9, v57, v6;
	v9 =	vshrl.u32 v35, $0x1  }
0x168: {  	v34 =	vld.idx.msk [tilespmem:v27+s9+$0x0], $0xffff;
	v7 =	vsel vm9, v7, v25;
	v38 =	vadd.s32 v2, v0;
	v20 =	vshrl.u32 v37, $0x1  }
0x169: {  	v23 =	vld.idx.msk [tilespmem:v16+s9+$0x0], $0xffff;
	v39 =	vadd.s32 v7, v6;
	v22 =	vshrl.u32 v38, $0x1  }
0x16a: {  	v24 =	vshrl.u32 v39, $0x1;
	v25 =	vld.idx.msk [tilespmem:v18+s9+$0x0], $0xffff  }
0x16b: {  	v43 =	vld.idx.msk [tilespmem:v5+s9+$0x0], $0xffff  }
0x16c: {  	v41 =	vadd.s32 $0x1, v27;
	v50 =	vadd.s32 $0x1, v16;
	v49 =	vadd.s32 $0x1, v18;
	v44 =	vld.idx.msk [tilespmem:v9+s9+$0x0], $0xffff  }
0x16d: {  	v48 =	vadd.s32 $0x1, v5;
	v52 =	vadd.s32 $0x1, v9;
	v53 =	vadd.s32 $0x1, v20;
	v46 =	vld.idx.msk [tilespmem:v20+s9+$0x0], $0xffff  }
0x16e: {  	vm10 =	vle.f32 v34, v59;
	v57 =	vadd.s32 $0x1, v24;
	v61 =	vadd.s32 $0x1, v22;
	v45 =	vld.idx.msk [tilespmem:v22+s9+$0x0], $0xffff  }
0x16f: {  	v21 =	vsel vm10, v41, v21;
	v13 =	vsel vm10, v13, v27;
	vm11 =	vle.f32 v23, v55;
	v47 =	vld.idx.msk [tilespmem:v24+s9+$0x0], $0xffff  }
0x170: {  	v27 =	vadd.s32 v13, v21;
	v8 =	vsel vm11, v50, v8;
	v10 =	vsel vm11, v10, v16  }
0x171: {  	v27 =	vshrl.u32 v27, $0x1;
	v33 =	vadd.s32 v10, v8;
	vm13 =	vle.f32 v25, v56  }
0x172: {  	vm12 =	vle.f32 v43, v54;
	vm15 =	vle.f32 v44, v60;
	vm7 =	vle.f32 v46, v58  }
0x173: {  	v11 =	vsel vm13, v49, v11;
	v12 =	vsel vm13, v12, v18;
	vm14 =	vle.f32 v45, v62  }
0x174: {  	vm8 =	vle.f32 v47, v63;
	v14 =	vsel vm12, v48, v14;
	v1 =	vsel vm12, v1, v5  }
0x175: {  	v5 =	vsel vm7, v53, v15;
	v4 =	vsel vm7, v4, v20;
	v16 =	vsel vm15, v52, v17  }
0x176: {  	v34 =	vadd.s32 v12, v11;
	v15 =	vshrl.u32 v33, $0x1;
	v3 =	vsel vm15, v3, v9  }
0x177: {  	v35 =	vadd.s32 v1, v14;
	v17 =	vshrl.u32 v34, $0x1;
	v0 =	vsel vm14, v61, v0  }
0x178: {  	v2 =	vsel vm14, v2, v22;
	v39 =	vadd.s32 v4, v5;
	v9 =	vshrl.u32 v35, $0x1  }
0x179: {  	v38 =	vld.idx.msk [tilespmem:v27+s9+$0x0], $0xffff;
	v6 =	vsel vm8, v57, v6;
	v41 =	vadd.s32 v3, v16;
	v19 =	vshrl.u32 v39, $0x1  }
0x17a: {  	v7 =	vsel vm8, v7, v24;
	v22 =	vadd.s32 v2, v0;
	v20 =	vshrl.u32 v41, $0x1  }
0x17b: {  	v24 =	vadd.s32 v7, v6;
	v22 =	vshrl.u32 v22, $0x1;
	v23 =	vld.idx.msk [tilespmem:v15+s9+$0x0], $0xffff  }
0x17c: {  	v31 =	vimm.f32 $0.0e+00;
	vm4 =	vge.f32 v63, $1.000000050e-03;
	v24 =	vshrl.u32 v24, $0x1;
	v25 =	vld.idx.msk [tilespmem:v17+s9+$0x0], $0xffff  }
0x17d: {  	v32 =	vsel vm4, $0x3F800000, v31;
	v44 =	vld.idx.msk [tilespmem:v9+s9+$0x0], $0xffff  }
0x17e: {  	v43 =	vadd.s32 $0x1, v27;
	v49 =	vadd.s32 $0x1, v15;
	vm9 =	vle.f32 v38, v59;
	v45 =	vld.idx.msk [tilespmem:v19+s9+$0x0], $0xffff  }
0x17f: {  	v48 =	vadd.s32 $0x1, v17;
	v21 =	vsel vm9, v43, v21;
	v13 =	vsel vm9, v13, v27;
	v46 =	vld.idx.msk [tilespmem:v20+s9+$0x0], $0xffff  }
0x180: {  	v52 =	vadd.s32 $0x1, v19;
	v57 =	vadd.s32 $0x1, v9;
	v27 =	vadd.s32 v13, v21;
	v47 =	vld.idx.msk [tilespmem:v22+s9+$0x0], $0xffff  }
0x181: {  	v61 =	vadd.s32 $0x1, v24;
	v41 =	vadd.s32 $0x1, v22;
	v27 =	vshrl.u32 v27, $0x1;
	v50 =	vld.idx.msk [tilespmem:v24+s9+$0x0], $0xffff  }
0x182: {  	v43 =	vadd.s32 $0x1, v20;
	v53 =	vadd.s32 $0x1, v27;
	vm12 =	vle.f32 v23, v55  }
0x183: {  	vm11 =	vle.f32 v25, v56;
	v8 =	vsel vm12, v49, v8;
	v10 =	vsel vm12, v10, v15  }
0x184: {  	vm10 =	vle.f32 v44, v54;
	vm13 =	vle.f32 v46, v60;
	vm14 =	vle.f32 v45, v58  }
0x185: {  	v11 =	vsel vm11, v48, v11;
	v12 =	vsel vm11, v12, v17;
	v10 =	vadd.s32 v10, v8  }
0x186: {  	vm15 =	vle.f32 v47, v62;
	vm6 =	vle.f32 v50, v63;
	v12 =	vadd.s32 v12, v11  }
0x187: {  	v15 =	vshrl.u32 v10, $0x1;
	v14 =	vsel vm10, v57, v14;
	v1 =	vsel vm10, v1, v9  }
0x188: {  	v5 =	vsel vm14, v52, v5;
	v4 =	vsel vm14, v4, v19;
	v3 =	vsel vm13, v3, v20  }
0x189: {  	vm9 =	vlt.u32 v10, $0x200;
	v0 =	vsel vm15, v41, v0;
	v6 =	vsel vm6, v61, v6  }
0x18a: {  	v44 =	vld.idx.msk [tilespmem:v27+s9+$0x0], $0xffff;
	v2 =	vsel vm15, v2, v22;
	v7 =	vsel vm6, v7, v24;
	v18 =	vshrl.u32 v12, $0x1  }
0x18b: {  	v45 =	vmin.u32 v15, $0xFF;
	v1 =	vadd.s32 v1, v14;
	v4 =	vadd.s32 v4, v5  }
0x18c: {  	v7 =	vadd.s32 v7, v6;
	v46 =	vmin.u32 v18, $0xFF;
	v57 =	vshrl.u32 v1, $0x1  }
0x18d: {  	v2 =	vadd.s32 v2, v0;
	v47 =	vshrl.u32 v7, $0x1;
	v35 =	vmin.u32 v57, $0xFF  }
0x18e: {  	vm8 =	vlt.u32 v12, $0x200;
	v48 =	vshrl.u32 v2, $0x1;
	v49 =	vmin.u32 v47, $0xFF  }
0x18f: {  	v36 =	vshrl.u32 v4, $0x1;
	vm7 =	vle.f32 v44, v59;
	v50 =	vmin.u32 v48, $0xFF  }
0x190: {  	v39 =	vmin.u32 v36, $0xFF;
	vm11 =	vlt.u32 v7, $0x200;
	v21 =	vsel vm7, v53, v21;
	v53 =	vld.idx.msk [tilespmem:v45+s9+$0x0], $0xffff  }
0x191: {  	v57 =	vadd.s32 $0x1, v57;
	v24 =	vadd.s32 $0x1, v36;
	v52 =	vsel vm7, v13, v27;
	v61 =	vld.idx.msk [tilespmem:v46+s9+$0x0], $0xffff  }
0x192: {  	v13 =	vsel vm13, v43, v16;
	vm13 =	vlt.u32 v2, $0x200;
	v9 =	vadd.s32 v52, v21;
	v2 =	vld.idx.msk [tilespmem:v35+s9+$0x0], $0xffff  }
0x193: {  	v44 =	vadd.s32 $0x1, v48;
	v3 =	vadd.s32 v3, v13;
	v33 =	vshrl.u32 v9, $0x1;
	v34 =	vld.idx.msk [tilespmem:v49+s9+$0x0], $0xffff  }
0x194: {  	v43 =	vadd.s32 $0x1, v47;
	v37 =	vshrl.u32 v3, $0x1;
	v38 =	vmin.u32 v33, $0xFF;
	v26 =	vld.idx.msk [tilespmem:v50+s9+$0x0], $0xffff  }
0x195: {  	v41 =	vmin.u32 v37, $0xFF;
	v23 =	vadd.s32 $0x1, v37;
	v25 =	vadd.s32 $0x1, v33  }
0x196: {  	v49 =	vadd.s32 $0x1, v15;
	vm10 =	vle.f32 v53, v55;
	v53 =	vadd.s32 $0x1, v18  }
0x197: {  	v47 =	vld.idx.msk [tilespmem:v39+s9+$0x0], $0xffff;
	vm12 =	vle.f32 v61, v56;
	vm1 =	vmand vm10, vm9;
	vm9 =	vlt.u32 v4, $0x200  }
0x198: {  	vm0 =	vmand vm12, vm8;
	vm8 =	vlt.u32 v1, $0x200;
	v15 =	vsel vm1, v49, v8  }
0x199: {  	vm10 =	vle.f32 v2, v54;
	vm14 =	vle.f32 v34, v63;
	vm15 =	vle.f32 v26, v62  }
0x19a: {  	vm1 =	vmand vm10, vm8;
	v16 =	vsel vm0, v53, v11;
	vm10 =	vge.f32 v60, $1.000000050e-03  }
0x19b: {  	vm3 =	vmand vm14, vm11;
	vm2 =	vmand vm15, vm13;
	vm11 =	vlt.u32 v9, $0x200  }
0x19c: {  	vm13 =	vle.f32 v47, v58;
	v61 =	vsel vm1, v57, v14;
	vm14 =	vlt.u32 v3, $0x200  }
0x19d: {  	v48 =	vld.idx.msk [tilespmem:v41+s9+$0x0], $0xffff;
	v36 =	vsel vm10, $0x3F800000, v31;
	v39 =	vmin.u32 v16, $0xFF;
	v41 =	vmax.u32 v16, $0x1  }
0x19e: {  	v47 =	vmin.u32 v15, $0xFF;
	v6 =	vsel vm3, v43, v6;
	v0 =	vsel vm2, v44, v0  }
0x19f: {  	v1 =	vld.idx.msk [tilespmem:v38+s9+$0x0], $0xffff;
	vm2 =	vmand vm13, vm9;
	v45 =	vmin.u32 v6, $0xFF;
	v46 =	vmax.u32 v6, $0x1  }
0x1a0: {  	vm9 =	vge.f32 v62, $1.000000050e-03;
	v37 =	vmin.u32 v61, $0xFF;
	v4 =	vsub.s32 v46, v51  }
0x1a1: {  	v38 =	vmax.u32 v61, $0x1;
	v20 =	vsub.s32 v41, v51;
	v50 =	vmin.u32 v0, $0xFF  }
0x1a2: {  	v52 =	vmax.u32 v0, $0x1;
	v5 =	vsel vm2, v24, v5;
	vm5 =	vlt.u32 v6, $0x100  }
0x1a3: {  	vm6 =	veq.s32 v6, $0x0;
	vm7 =	vlt.u32 v0, $0x100;
	v18 =	vsub.s32 v38, v51;
	v49 =	vld.idx.msk [tilespmem:v39+s9+$0x0], $0xffff  }
0x1a4: {  	v2 =	vsub.s32 v52, v51;
	vm12 =	vle.f32 v1, v59;
	vm15 =	vle.f32 v48, v60;
	v1 =	vld.idx.msk [tilespmem:v45+s9+$0x0], $0xffff  }
0x1a5: {  	vm8 =	veq.s32 v0, $0x0;
	v26 =	vmin.u32 v5, $0xFF;
	vm1 =	vmand vm15, vm14;
	v4 =	vld.idx.msk [tilespmem:v4+s9+$0x0], $0xffff  }
0x1a6: {  	v29 =	vmax.u32 v5, $0x1;
	vm0 =	vmand vm12, vm11;
	v7 =	vsel vm1, v23, v13;
	v14 =	vld.idx.msk [tilespmem:v37+s9+$0x0], $0xffff  }
0x1a7: {  	vm13 =	vlt.u32 v5, $0x100;
	v9 =	vsel vm0, v25, v21;
	v27 =	vmin.u32 v7, $0xFF;
	v3 =	vld.idx.msk [tilespmem:v50+s9+$0x0], $0xffff  }
0x1a8: {  	v48 =	vmax.u32 v15, $0x1;
	vm15 =	vge.f32 v58, $1.000000050e-03;
	v34 =	vmin.u32 v9, $0xFF;
	v44 =	vld.idx.msk [tilespmem:v18+s9+$0x0], $0xffff  }
0x1a9: {  	vm14 =	veq.s32 v5, $0x0;
	v13 =	vsub.s32 v29, v51;
	v5 =	vsel vm15, $0x3F800000, v31;
	v2 =	vld.idx.msk [tilespmem:v2+s9+$0x0], $0xffff  }
0x1aa: {  	v28 =	vmax.u32 v7, $0x1;
	v10 =	vld.idx.msk [tilespmem:v26+s9+$0x0], $0xffff;
	v1 =	vsub.f32 v1, v63;
	v4 =	vsub.f32 v63, v4  }
0x1ab: {  	v35 =	vmax.u32 v9, $0x1;
	vm11 =	vlt.u32 v7, $0x100;
	v12 =	vsub.s32 v28, v51  }
0x1ac: {  	v57 =	vsub.f32 v49, v56;
	v11 =	vld.idx.msk [tilespmem:v27+s9+$0x0], $0xffff;
	v1 =	vmul.f32 v1, v1;
	v4 =	vmul.f32 v4, v4  }
0x1ad: {  	vm12 =	veq.s32 v7, $0x0;
	v6 =	vld.idx.msk [tilespmem:v34+s9+$0x0], $0xffff;
	v14 =	vsub.f32 v14, v54;
	v3 =	vsub.f32 v3, v62  }
0x1ae: {  	v7 =	vsub.f32 v54, v44;
	v2 =	vsub.f32 v62, v2;
	v30 =	vmin.f32 v4, v1  }
0x1af: {  	v10 =	vsub.f32 v10, v58;
	v3 =	vmul.f32 v3, v3;
	v4 =	vsel vm5, v30, v4  }
0x1b0: {  	v2 =	vmul.f32 v2, v2;
	v1 =	vsel vm6, v1, v4;
	v4 =	vld.idx.msk [tilespmem:v12+s9+$0x0], $0xffff;
	v12 =	vsub.s32 v35, v51  }
0x1b1: {  	v14 =	vmul.f32 v14, v14;
	v7 =	vmul.f32 v7, v7;
	v11 =	vsub.f32 v11, v60  }
0x1b2: {  	v10 =	vmul.f32 v10, v10;
	v6 =	vsub.f32 v6, v59;
	v33 =	vmin.f32 v2, v3  }
0x1b3: {  	v53 =	vmin.f32 v7, v14;
	v0 =	vsel vm7, v33, v2;
	v2 =	vld.idx.msk [tilespmem:v13+s9+$0x0], $0xffff;
	v11 =	vmul.f32 v11, v11  }
0x1b4: {  	v6 =	vmul.f32 v6, v6;
	vm5 =	vlt.u32 v9, $0x100;
	vm7 =	vlt.u32 v61, $0x100  }
0x1b5: {  	v0 =	vsel vm8, v3, v0;
	v3 =	vsel vm9, $0x3F800000, v31;
	vm6 =	veq.s32 v9, $0x0;
	v12 =	vld.idx.msk [tilespmem:v12+s9+$0x0], $0xffff  }
0x1b6: {  	v7 =	vsel vm7, v53, v7;
	vm8 =	veq.s32 v61, $0x0;
	v61 =	vadd.f32 v32, v40  }
0x1b7: {  	v1 =	vnsel vm4, $0x0, v1;
	v0 =	vnsel vm9, $0x0, v0;
	vm4 =	vge.f32 v59, $1.000000050e-03  }
0x1b8: {  	v7 =	vsel vm8, v14, v7;
	v1 =	vadd.f32 v1, v42;
	v2 =	vsub.f32 v58, v2  }
0x1b9: {  	vm9 =	vge.f32 v54, $1.000000050e-03;
	v3 =	vadd.f32 v3, v61;
	v4 =	vsub.f32 v60, v4  }
0x1ba: {  	v2 =	vmul.f32 v2, v2;
	v46 =	vsub.f32 v59, v12;
	v12 =	vsub.s32 v48, v51  }
0x1bb: {  	v50 =	vld.idx.msk [tilespmem:v20+s9+$0x0], $0xffff;
	v52 =	vsel vm4, $0x3F800000, v31;
	v3 =	vadd.f32 v36, v3;
	v4 =	vmul.f32 v4, v4  }
0x1bc: {  	v7 =	vnsel vm9, $0x0, v7;
	v0 =	vadd.f32 v0, v1;
	v45 =	vmin.f32 v2, v10  }
0x1bd: {  	v3 =	vadd.f32 v5, v3;
	v43 =	vmin.f32 v4, v11;
	v2 =	vsel vm13, v45, v2  }
0x1be: {  	v58 =	vld.idx.msk [tilespmem:v47+s9+$0x0], $0xffff;
	v4 =	vsel vm11, v43, v4;
	v2 =	vsel vm14, v10, v2;
	v10 =	vmul.f32 v46, v46  }
0x1bf: {  	v1 =	vsel vm9, $0x3F800000, v31;
	v3 =	vadd.f32 v52, v3;
	v4 =	vsel vm12, v11, v4;
	v60 =	vld.idx.msk [tilespmem:v12+s9+$0x0], $0xffff  }
0x1c0: {  	v59 =	vsub.f32 v56, v50;
	v4 =	vnsel vm10, $0x0, v4;
	v51 =	vmin.f32 v10, v6  }
0x1c1: {  	v2 =	vnsel vm15, $0x0, v2;
	v0 =	vadd.f32 v4, v0;
	v10 =	vsel vm5, v51, v10  }
0x1c2: {  	v8 =	vmul.f32 v59, v59;
	v6 =	vsel vm6, v6, v10;
	v10 =	vmul.f32 v57, v57  }
0x1c3: {  	v9 =	vsub.f32 v58, v55;
	vm10 =	vlt.u32 v16, $0x100;
	v0 =	vadd.f32 v2, v0  }
0x1c4: {  	v6 =	vnsel vm4, $0x0, v6;
	v4 =	vmin.f32 v8, v10;
	v62 =	vsub.f32 v55, v60  }
0x1c5: {  	vm11 =	veq.s32 v16, $0x0;
	v0 =	vadd.f32 v6, v0;
	v4 =	vsel vm10, v4, v8  }
0x1c6: {  	v2 =	vsel vm11, v10, v4;
	v4 =	vmul.f32 v9, v9;
	v5 =	vmul.f32 v62, v62  }
0x1c7: {  	vm13 =	vlt.u32 v15, $0x100;
	v1 =	vadd.f32 v1, v3;
	vm14 =	veq.s32 v15, $0x0  }
0x1c8: {  	vm12 =	vge.f32 v56, $1.000000050e-03;
	v0 =	vadd.f32 v7, v0;
	v8 =	vmin.f32 v5, v4  }
0x1c9: {  	vm15 =	vge.f32 v55, $1.000000050e-03;
	v2 =	vnsel vm12, $0x0, v2;
	v3 =	vsel vm13, v8, v5  }
0x1ca: {  	v63 =	vsel vm12, $0x3F800000, v31;
	v0 =	vadd.f32 v2, v0;
	v3 =	vsel vm14, v4, v3  }
0x1cb: {  	v1 =	vadd.f32 v63, v1;
	v2 =	vnsel vm15, $0x0, v3  }
0x1cc: {  	v3 =	vsel vm15, $0x3F800000, v31;
	v0 =	vadd.f32 v2, v0  }
0x1cd: {  	v1 =	vadd.f32 v3, v1  }
0x1ce: {  	[tilespmem:$0x1980] =	vst v0  }
0x1cf: {  	[tilespmem:$0x1990] =	vst v1  }
0x1d0: {  	[hbm4b:s5+s2] =	stream.linear.scatter [tilespmem:s10], [sflag:$0x1], $0x10, $0x38;
	[tilespmem:$0x1A00] =	vst v63  }
0x1d1: {  	s12 =	sadd.s32 $0x1, s12;
	_ =	swait.ge [sflag:s8], $0x10  }
0x1d2: {  	p0 =	sne.s32 s12, s7;
	[sflag:s8] =	ssyncset.done $0x0  }
.Ltmp1:
0x1d3: {  	[sflag:s8] =	ssyncadd.s32 $0xFFFFFFF0;
	(pc) =	sbr.rel @p0 .LBB2_1-.Ltmp1, $4  }
0x1d4: {  	[hbm4b:s6+s2] =	stream.linear.scatter [tilespmem:s11], [sflag:$0x1], $0x10, $0x38;
	[tilespmem:$0x1A00] =	vst v63  }
0x1d5: {  	_ =	swait.ge [sflag:s8], $0x10  }
0x1d6: {  	[sflag:s8] =	ssyncset.done $0x0  }
0x1d7: {  	v2 =	vimm.s32 $0x0;
	v3 =	vimm.s32 $0x40;
	v1 =	vimm.s32 $0x80;
	[sflag:s8] =	ssyncadd.s32 $0xFFFFFFF0  }
0x1d8: {  	_ =	sfence.sel $0x180000  }
0x1d9: {  	[bflag:$0x0] =	sbarrier.arrive $0xFFFF  }
0x1da: {  	p0 =	sne.s32 s0, $0x0;
	_ =	strace $0x90000047  }
0x1db: {  	s0 =	sadd.s32 @!p0 $0x100000, s1;
	[bflag:$0x2] =	sbarrier.arrive $0xFFFF  }
0x1dc: {  	[sflag:s0] =	ssyncadd.tile.s32 @!p0 $0x1;
	_ =	shalt  }
.Lfunc_end2:
_tile_overlayer_lowered:
.L_overlay_start_2:
0x1dd: {  	(tag) =	ssettag $0x2  }
0x1de: {  	s0 =	rddreg [dreg:$0x0];
	s2 =	stileid.u32  }
0x1df: {  	s1 =	rddreg [dreg:$0x1];
	p0 =	sne.s32 s2, $0x0  }
0x1e0: {  	s3 =	rddreg [dreg:$0x2];
	[bflag:$0x3] =	sbarrier.arrive $0xFFFF;
	s2 =	simm.s32 @!p0 $0x1C01  }
0x1e1: {  	[timem:s3], [sflag:s2] =	dma.local @!p0 [hbm:s0], s1  }
0x1e2: {  	s0 =	simm.s32 @!p0 $0x1  }
0x1e3: {  	_ =	swait.ge @!p0 [sflag:s0], s1  }
0x1e4: {  	s1 =	ssub.s32 @!p0 $0x0, s1;
	[sflag:s0] =	ssyncset.done @!p0 $0x0  }
0x1e5: {  	[sflag:s0] =	ssyncadd.s32 @!p0 s1  }
0x1e6: {  	[bflag:$0x3] =	sbarrier.arrive $0xFFFF  }
0x1e7: {  	_ =	shalt  }

</sc_bundles>
